<compile_context>
chip_gen: v7x
topology: tpu7x:2x2x1
jax: 0.10.2.dev20260603
libtpu: 0.0.44.dev20260713+nightly
codegen_flags: <defaults>
</compile_context>

<pallas_src>
import dataclasses

import jax
import jax.numpy as jnp
from jax import lax
from jax.experimental import pallas as pl
from jax.experimental.pallas import tpu as pltpu
from jax.experimental.pallas import tpu_sc as plsc

ROWS = 8192
DIM = 4096

NC = 2
NS = 16
NW = NC * NS
R_PER_W = ROWS // NW
CH = 8
HALF = CH // 2
NCH = R_PER_W // CH
NGRP = DIM // 16
UNROLL = 8


def _shuffle_chunk(perm_v, in_b, outa, outb):
    rvecs = [jnp.full((16,), rr, jnp.int32) for rr in range(CH)]

    @pl.loop(0, NGRP, step=4)
    def _(j):
        base = j * 16
        idxs = [perm_v[pl.ds(base + u * 16, 16)] for u in range(4)]
        vals = [
            plsc.load_gather(in_b, [rvecs[rr], idxs[u]])
            for rr in range(CH)
            for u in range(4)
        ]
        k = 0
        for rr in range(CH):
            ob = outa if rr < HALF else outb
            for u in range(4):
                ob[rr % HALF, pl.ds(base + u * 16, 16)] = vals[k]
                k += 1


def _sc_body(x_hbm, perm_hbm, o_hbm, perm_v, in0, in1, outa, outb,
             si0, si1, soa, sob):
    wid = lax.axis_index("s") * NC + lax.axis_index("c")
    base = wid * R_PER_W

    pltpu.sync_copy(perm_hbm, perm_v)

    def chunk(c):
        return pl.ds(base + c * CH, CH)

    def half_a(c):
        return pl.ds(base + c * CH, HALF)

    def half_b(c):
        return pl.ds(base + c * CH + HALF, HALF)

    pltpu.async_copy(x_hbm.at[chunk(0)], in0, si0)

    @pl.loop(0, NCH, step=2)
    def _(c):
        pltpu.async_copy(x_hbm.at[chunk(c + 1)], in1, si1)
        pltpu.make_async_copy(x_hbm.at[chunk(c)], in0, si0).wait()

        @pl.when(c >= 1)
        def _():
            pltpu.make_async_copy(outa, o_hbm.at[half_a(c - 1)], soa).wait()
            pltpu.make_async_copy(outb, o_hbm.at[half_b(c - 1)], sob).wait()

        _shuffle_chunk(perm_v, in0, outa, outb)
        pltpu.async_copy(outa, o_hbm.at[half_a(c)], soa)
        pltpu.async_copy(outb, o_hbm.at[half_b(c)], sob)

        @pl.when(c + 2 < NCH)
        def _():
            pltpu.async_copy(x_hbm.at[chunk(c + 2)], in0, si0)

        pltpu.make_async_copy(x_hbm.at[chunk(c + 1)], in1, si1).wait()

        pltpu.make_async_copy(outa, o_hbm.at[half_a(c)], soa).wait()
        pltpu.make_async_copy(outb, o_hbm.at[half_b(c)], sob).wait()
        _shuffle_chunk(perm_v, in1, outa, outb)
        pltpu.async_copy(outa, o_hbm.at[half_a(c + 1)], soa)
        pltpu.async_copy(outb, o_hbm.at[half_b(c + 1)], sob)

    pltpu.make_async_copy(outa, o_hbm.at[half_a(NCH - 1)], soa).wait()
    pltpu.make_async_copy(outb, o_hbm.at[half_b(NCH - 1)], sob).wait()


def kernel(x, perm):
    mesh = plsc.VectorSubcoreMesh(core_axis_name="c", subcore_axis_name="s")
    cp = pltpu.CompilerParams()
    if "needs_layout_passes" in pltpu.CompilerParams.__dataclass_fields__:
        cp = dataclasses.replace(cp, needs_layout_passes=False)
    kfn = pl.kernel(
        _sc_body,
        mesh=mesh,
        compiler_params=cp,
        out_type=jax.ShapeDtypeStruct((ROWS, DIM), jnp.float32),
        scratch_types=[
            pltpu.VMEM((DIM,), jnp.int32),
            pltpu.VMEM((CH, DIM), jnp.float32),
            pltpu.VMEM((CH, DIM), jnp.float32),
            pltpu.VMEM((HALF, DIM), jnp.float32),
            pltpu.VMEM((HALF, DIM), jnp.float32),
            pltpu.SemaphoreType.DMA,
            pltpu.SemaphoreType.DMA,
            pltpu.SemaphoreType.DMA,
            pltpu.SemaphoreType.DMA,
        ],
    )
    return kfn(x, perm)

# --- scband reference (transcript-rebuilt; emitter-appended) ---
"""Pipeline reference for scband-invertible-permutation-15607911154097 (READ-ONLY COPY).

The authoritative reference and input builder live on the scoring server;
editing this copy changes nothing except your own understanding.
"""

import jax, jax.numpy as jnp
import numpy as np

DIM = 4096
ROWS = 8192

def setup_inputs(seed: int = 0) -> dict:
    key = jax.random.key(seed)
    x = jax.random.normal(key, (ROWS, DIM), dtype=jnp.float32)
    # Buffer: a fixed random permutation of the feature dim (seeded, like torch.randperm(dim, generator=g))
    rng = np.random.default_rng(0)
    perm = jnp.asarray(rng.permutation(DIM), dtype=jnp.int32)
    return {"x": x, "perm": perm}

def reference(x, perm):
    # forward: x[:, self.perm] -> gather along feature axis
    return jnp.take(x, perm, axis=1)

if __name__ == "__main__":
    import jax
    _d = setup_inputs()
    print(jax.jit(kernel)(*tuple(_d.values())))

</pallas_src>

<mosaic_0001>
#map = affine_map<(d0, d1) -> (0, 0)>
#map1 = affine_map<(d0, d1) -> (0)>
module attributes {stable_mosaic.version = 14 : i64} {
  func.func @_sc_body(%arg0: i32, %arg1: i32, %arg2: memref<8192x4096xf32, #tpu.memory_space<hbm>>, %arg3: memref<4096xi32, #tpu.memory_space<hbm>>, %arg4: memref<8192x4096xf32, #tpu.memory_space<hbm>>, %arg5: memref<4096xi32, #tpu.memory_space<vmem>>, %arg6: memref<8x4096xf32, #tpu.memory_space<vmem>>, %arg7: memref<8x4096xf32, #tpu.memory_space<vmem>>, %arg8: memref<4x4096xf32, #tpu.memory_space<vmem>>, %arg9: memref<4x4096xf32, #tpu.memory_space<vmem>>, %arg10: memref<!tpu.dma_semaphore, #tpu.memory_space<semaphore_mem>>, %arg11: memref<!tpu.dma_semaphore, #tpu.memory_space<semaphore_mem>>, %arg12: memref<!tpu.dma_semaphore, #tpu.memory_space<semaphore_mem>>, %arg13: memref<!tpu.dma_semaphore, #tpu.memory_space<semaphore_mem>>) attributes {dimension_semantics = [#tpu.dimension_semantics<core_parallel>, #tpu.dimension_semantics<subcore_parallel>], iteration_bounds = array<i64: 2, 16>, scalar_prefetch = 0 : i64, scratch_operands = 9 : i64, tpu.core_type = #tpu.core_type<sc_vector_subcore>, window_params = [{transform_indices = #map}, {transform_indices = #map1}, {transform_indices = #map}]} {
    %mul3A = arith.constant 2 : i32
    %mul3A_0 = arith.muli %arg1, %mul3A : i32
    %add3A = arith.addi %mul3A_0, %arg0 : i32
    %mul3A_1 = arith.constant 256 : i32
    %mul3A_2 = arith.muli %add3A, %mul3A_1 : i32
    "tpu.region"() ({
      %run_scoped3A = tpu.sem_alloc : memref<!tpu.dma_semaphore, #tpu.memory_space<semaphore_mem>>
      tpu.enqueue_dma source(%arg3 : memref<4096xi32, #tpu.memory_space<hbm>>) target(%arg5 : memref<4096xi32, #tpu.memory_space<vmem>>) target_semaphore(%run_scoped3A : memref<!tpu.dma_semaphore, #tpu.memory_space<semaphore_mem>>)
      tpu.wait_dma2 semaphore(%run_scoped3A : memref<!tpu.dma_semaphore, #tpu.memory_space<semaphore_mem>>) src(%arg3 : memref<4096xi32, #tpu.memory_space<hbm>>) dst(%arg5 : memref<4096xi32, #tpu.memory_space<vmem>>)
      tpu.yield
    }) : () -> ()
    %add3A_3 = arith.constant 0 : i32
    %add3A_4 = arith.addi %mul3A_2, %add3A_3 : i32
    %dma_start3A = arith.constant 0 : i32
    %dma_start3A_5 = tpu.memref_slice %arg2[%add3A_4, %dma_start3A] : memref<8192x4096xf32, #tpu.memory_space<hbm>> -> memref<8x4096xf32, #tpu.memory_space<hbm>>
    %dma_start3A_6 = arith.constant 0 : i32
    %dma_start3A_7 = tpu.memref_slice %arg2[%add3A_4, %dma_start3A_6] : memref<8192x4096xf32, #tpu.memory_space<hbm>> -> memref<8x4096xf32, #tpu.memory_space<hbm>>
    tpu.enqueue_dma source(%dma_start3A_7 : memref<8x4096xf32, #tpu.memory_space<hbm>>) target(%arg6 : memref<8x4096xf32, #tpu.memory_space<vmem>>) target_semaphore(%arg10 : memref<!tpu.dma_semaphore, #tpu.memory_space<semaphore_mem>>)
    %scan3A = arith.constant 0 : i32
    %scan3A_8 = arith.constant 16 : i32
    %scan3A_9 = arith.addi %scan3A, %scan3A_8 : i32
    %scan3A_10 = arith.constant 1 : i32
    scf.for %scan3A_25 = %scan3A to %scan3A_9 step %scan3A_10  : i32 {
      %mul3A_26 = arith.constant 2 : i32
      %mul3A_27 = arith.muli %scan3A_25, %mul3A_26 : i32
      %add3A_28 = arith.constant 0 : i32
      %add3A_29 = arith.addi %add3A_28, %mul3A_27 : i32
      %add3A_30 = arith.constant 1 : i32
      %add3A_31 = arith.addi %add3A_29, %add3A_30 : i32
      %mul3A_32 = arith.constant 8 : i32
      %mul3A_33 = arith.muli %add3A_31, %mul3A_32 : i32
      %add3A_34 = arith.addi %mul3A_2, %mul3A_33 : i32
      %dma_start3A_35 = arith.constant 0 : i32
      %dma_start3A_36 = tpu.memref_slice %arg2[%add3A_34, %dma_start3A_35] : memref<8192x4096xf32, #tpu.memory_space<hbm>> -> memref<8x4096xf32, #tpu.memory_space<hbm>>
      %dma_start3A_37 = arith.constant 0 : i32
      %dma_start3A_38 = tpu.memref_slice %arg2[%add3A_34, %dma_start3A_37] : memref<8192x4096xf32, #tpu.memory_space<hbm>> -> memref<8x4096xf32, #tpu.memory_space<hbm>>
      tpu.enqueue_dma source(%dma_start3A_38 : memref<8x4096xf32, #tpu.memory_space<hbm>>) target(%arg7 : memref<8x4096xf32, #tpu.memory_space<vmem>>) target_semaphore(%arg11 : memref<!tpu.dma_semaphore, #tpu.memory_space<semaphore_mem>>)
      %mul3A_39 = arith.constant 8 : i32
      %mul3A_40 = arith.muli %add3A_29, %mul3A_39 : i32
      %add3A_41 = arith.addi %mul3A_2, %mul3A_40 : i32
      %dma_wait3A_42 = arith.constant 0 : i32
      %dma_wait3A_43 = tpu.memref_slice %arg2[%add3A_41, %dma_wait3A_42] : memref<8192x4096xf32, #tpu.memory_space<hbm>> -> memref<8x4096xf32, #tpu.memory_space<hbm>>
      %dma_wait3A_44 = arith.constant 0 : i32
      %dma_wait3A_45 = tpu.memref_slice %arg2[%add3A_41, %dma_wait3A_44] : memref<8192x4096xf32, #tpu.memory_space<hbm>> -> memref<8x4096xf32, #tpu.memory_space<hbm>>
      tpu.wait_dma2 semaphore(%arg10 : memref<!tpu.dma_semaphore, #tpu.memory_space<semaphore_mem>>) src(%dma_wait3A_45 : memref<8x4096xf32, #tpu.memory_space<hbm>>) dst(%arg6 : memref<8x4096xf32, #tpu.memory_space<vmem>>)
      %ge3A = arith.constant 1 : i32
      %ge3A_46 = arith.cmpi sge, %add3A_29, %ge3A : i32
      %convert_element_type3A = arith.extui %ge3A_46 : i1 to i32
      %cond3A = arith.constant 0 : i32
      %cond3A_47 = arith.cmpi ne, %convert_element_type3A, %cond3A : i32
      scf.if %cond3A_47 {
        %sub3A = arith.constant 1 : i32
        %sub3A_156 = arith.subi %add3A_29, %sub3A : i32
        %mul3A_157 = arith.constant 8 : i32
        %mul3A_158 = arith.muli %sub3A_156, %mul3A_157 : i32
        %add3A_159 = arith.addi %mul3A_2, %mul3A_158 : i32
        %dma_wait3A_160 = arith.constant 0 : i32
        %dma_wait3A_161 = tpu.memref_slice %arg4[%add3A_159, %dma_wait3A_160] : memref<8192x4096xf32, #tpu.memory_space<hbm>> -> memref<4x4096xf32, #tpu.memory_space<hbm>>
        %dma_wait3A_162 = arith.constant 0 : i32
        %dma_wait3A_163 = tpu.memref_slice %arg4[%add3A_159, %dma_wait3A_162] : memref<8192x4096xf32, #tpu.memory_space<hbm>> -> memref<4x4096xf32, #tpu.memory_space<hbm>>
        tpu.wait_dma2 semaphore(%arg12 : memref<!tpu.dma_semaphore, #tpu.memory_space<semaphore_mem>>) src(%arg8 : memref<4x4096xf32, #tpu.memory_space<vmem>>) dst(%dma_wait3A_163 : memref<4x4096xf32, #tpu.memory_space<hbm>>)
        %sub3A_164 = arith.constant 1 : i32
        %sub3A_165 = arith.subi %add3A_29, %sub3A_164 : i32
        %mul3A_166 = arith.constant 8 : i32
        %mul3A_167 = arith.muli %sub3A_165, %mul3A_166 : i32
        %add3A_168 = arith.addi %mul3A_2, %mul3A_167 : i32
        %add3A_169 = arith.constant 4 : i32
        %add3A_170 = arith.addi %add3A_168, %add3A_169 : i32
        %dma_wait3A_171 = arith.constant 0 : i32
        %dma_wait3A_172 = tpu.memref_slice %arg4[%add3A_170, %dma_wait3A_171] : memref<8192x4096xf32, #tpu.memory_space<hbm>> -> memref<4x4096xf32, #tpu.memory_space<hbm>>
        %dma_wait3A_173 = arith.constant 0 : i32
        %dma_wait3A_174 = tpu.memref_slice %arg4[%add3A_170, %dma_wait3A_173] : memref<8192x4096xf32, #tpu.memory_space<hbm>> -> memref<4x4096xf32, #tpu.memory_space<hbm>>
        tpu.wait_dma2 semaphore(%arg13 : memref<!tpu.dma_semaphore, #tpu.memory_space<semaphore_mem>>) src(%arg9 : memref<4x4096xf32, #tpu.memory_space<vmem>>) dst(%dma_wait3A_174 : memref<4x4096xf32, #tpu.memory_space<hbm>>)
      } else {
      }
      %broadcast_in_dim3A = arith.constant 0 : i32
      %broadcast_in_dim3A_48 = vector.broadcast %broadcast_in_dim3A : i32 to vector<16xi32>
      %broadcast_in_dim3A_49 = arith.constant 1 : i32
      %broadcast_in_dim3A_50 = vector.broadcast %broadcast_in_dim3A_49 : i32 to vector<16xi32>
      %broadcast_in_dim3A_51 = arith.constant 2 : i32
      %broadcast_in_dim3A_52 = vector.broadcast %broadcast_in_dim3A_51 : i32 to vector<16xi32>
      %broadcast_in_dim3A_53 = arith.constant 3 : i32
      %broadcast_in_dim3A_54 = vector.broadcast %broadcast_in_dim3A_53 : i32 to vector<16xi32>
      %broadcast_in_dim3A_55 = arith.constant 4 : i32
      %broadcast_in_dim3A_56 = vector.broadcast %broadcast_in_dim3A_55 : i32 to vector<16xi32>
      %broadcast_in_dim3A_57 = arith.constant 5 : i32
      %broadcast_in_dim3A_58 = vector.broadcast %broadcast_in_dim3A_57 : i32 to vector<16xi32>
      %broadcast_in_dim3A_59 = arith.constant 6 : i32
      %broadcast_in_dim3A_60 = vector.broadcast %broadcast_in_dim3A_59 : i32 to vector<16xi32>
      %broadcast_in_dim3A_61 = arith.constant 7 : i32
      %broadcast_in_dim3A_62 = vector.broadcast %broadcast_in_dim3A_61 : i32 to vector<16xi32>
      %scan3A_63 = arith.constant 0 : i32
      %scan3A_64 = arith.constant 64 : i32
      %scan3A_65 = arith.addi %scan3A_63, %scan3A_64 : i32
      %scan3A_66 = arith.constant 1 : i32
      scf.for %scan3A_156 = %scan3A_63 to %scan3A_65 step %scan3A_66  : i32 {
        %mul3A_157 = arith.constant 4 : i32
        %mul3A_158 = arith.muli %scan3A_156, %mul3A_157 : i32
        %add3A_159 = arith.constant 0 : i32
        %add3A_160 = arith.addi %add3A_159, %mul3A_158 : i32
        %mul3A_161 = arith.constant 16 : i32
        %mul3A_162 = arith.muli %add3A_160, %mul3A_161 : i32
        %add3A_163 = arith.constant 0 : i32
        %add3A_164 = arith.addi %mul3A_162, %add3A_163 : i32
        %get3A = arith.index_cast %add3A_164 : i32 to index
        %get3A_165 = tpu.vector_load %arg5[%get3A] {strides = array<i32>} : memref<4096xi32, #tpu.memory_space<vmem>>, vector<16xi32>,
        %add3A_166 = arith.constant 16 : i32
        %add3A_167 = arith.addi %mul3A_162, %add3A_166 : i32
        %get3A_168 = arith.index_cast %add3A_167 : i32 to index
        %get3A_169 = tpu.vector_load %arg5[%get3A_168] {strides = array<i32>} : memref<4096xi32, #tpu.memory_space<vmem>>, vector<16xi32>,
        %add3A_170 = arith.constant 32 : i32
        %add3A_171 = arith.addi %mul3A_162, %add3A_170 : i32
        %get3A_172 = arith.index_cast %add3A_171 : i32 to index
        %get3A_173 = tpu.vector_load %arg5[%get3A_172] {strides = array<i32>} : memref<4096xi32, #tpu.memory_space<vmem>>, vector<16xi32>,
        %add3A_174 = arith.constant 48 : i32
        %add3A_175 = arith.addi %mul3A_162, %add3A_174 : i32
        %get3A_176 = arith.index_cast %add3A_175 : i32 to index
        %get3A_177 = tpu.vector_load %arg5[%get3A_176] {strides = array<i32>} : memref<4096xi32, #tpu.memory_space<vmem>>, vector<16xi32>,
        %gather3A = tpu.vector_load_idx %arg6[%broadcast_in_dim3A_48, %get3A_165] : memref<8x4096xf32, #tpu.memory_space<vmem>>[vector<16xi32>, vector<16xi32>], vector<16xf32>,
        %gather3A_178 = tpu.vector_load_idx %arg6[%broadcast_in_dim3A_48, %get3A_169] : memref<8x4096xf32, #tpu.memory_space<vmem>>[vector<16xi32>, vector<16xi32>], vector<16xf32>,
        %gather3A_179 = tpu.vector_load_idx %arg6[%broadcast_in_dim3A_48, %get3A_173] : memref<8x4096xf32, #tpu.memory_space<vmem>>[vector<16xi32>, vector<16xi32>], vector<16xf32>,
        %gather3A_180 = tpu.vector_load_idx %arg6[%broadcast_in_dim3A_48, %get3A_177] : memref<8x4096xf32, #tpu.memory_space<vmem>>[vector<16xi32>, vector<16xi32>], vector<16xf32>,
        %gather3A_181 = tpu.vector_load_idx %arg6[%broadcast_in_dim3A_50, %get3A_165] : memref<8x4096xf32, #tpu.memory_space<vmem>>[vector<16xi32>, vector<16xi32>], vector<16xf32>,
        %gather3A_182 = tpu.vector_load_idx %arg6[%broadcast_in_dim3A_50, %get3A_169] : memref<8x4096xf32, #tpu.memory_space<vmem>>[vector<16xi32>, vector<16xi32>], vector<16xf32>,
        %gather3A_183 = tpu.vector_load_idx %arg6[%broadcast_in_dim3A_50, %get3A_173] : memref<8x4096xf32, #tpu.memory_space<vmem>>[vector<16xi32>, vector<16xi32>], vector<16xf32>,
        %gather3A_184 = tpu.vector_load_idx %arg6[%broadcast_in_dim3A_50, %get3A_177] : memref<8x4096xf32, #tpu.memory_space<vmem>>[vector<16xi32>, vector<16xi32>], vector<16xf32>,
        %gather3A_185 = tpu.vector_load_idx %arg6[%broadcast_in_dim3A_52, %get3A_165] : memref<8x4096xf32, #tpu.memory_space<vmem>>[vector<16xi32>, vector<16xi32>], vector<16xf32>,
        %gather3A_186 = tpu.vector_load_idx %arg6[%broadcast_in_dim3A_52, %get3A_169] : memref<8x4096xf32, #tpu.memory_space<vmem>>[vector<16xi32>, vector<16xi32>], vector<16xf32>,
        %gather3A_187 = tpu.vector_load_idx %arg6[%broadcast_in_dim3A_52, %get3A_173] : memref<8x4096xf32, #tpu.memory_space<vmem>>[vector<16xi32>, vector<16xi32>], vector<16xf32>,
        %gather3A_188 = tpu.vector_load_idx %arg6[%broadcast_in_dim3A_52, %get3A_177] : memref<8x4096xf32, #tpu.memory_space<vmem>>[vector<16xi32>, vector<16xi32>], vector<16xf32>,
        %gather3A_189 = tpu.vector_load_idx %arg6[%broadcast_in_dim3A_54, %get3A_165] : memref<8x4096xf32, #tpu.memory_space<vmem>>[vector<16xi32>, vector<16xi32>], vector<16xf32>,
        %gather3A_190 = tpu.vector_load_idx %arg6[%broadcast_in_dim3A_54, %get3A_169] : memref<8x4096xf32, #tpu.memory_space<vmem>>[vector<16xi32>, vector<16xi32>], vector<16xf32>,
        %gather3A_191 = tpu.vector_load_idx %arg6[%broadcast_in_dim3A_54, %get3A_173] : memref<8x4096xf32, #tpu.memory_space<vmem>>[vector<16xi32>, vector<16xi32>], vector<16xf32>,
        %gather3A_192 = tpu.vector_load_idx %arg6[%broadcast_in_dim3A_54, %get3A_177] : memref<8x4096xf32, #tpu.memory_space<vmem>>[vector<16xi32>, vector<16xi32>], vector<16xf32>,
        %gather3A_193 = tpu.vector_load_idx %arg6[%broadcast_in_dim3A_56, %get3A_165] : memref<8x4096xf32, #tpu.memory_space<vmem>>[vector<16xi32>, vector<16xi32>], vector<16xf32>,
        %gather3A_194 = tpu.vector_load_idx %arg6[%broadcast_in_dim3A_56, %get3A_169] : memref<8x4096xf32, #tpu.memory_space<vmem>>[vector<16xi32>, vector<16xi32>], vector<16xf32>,
        %gather3A_195 = tpu.vector_load_idx %arg6[%broadcast_in_dim3A_56, %get3A_173] : memref<8x4096xf32, #tpu.memory_space<vmem>>[vector<16xi32>, vector<16xi32>], vector<16xf32>,
        %gather3A_196 = tpu.vector_load_idx %arg6[%broadcast_in_dim3A_56, %get3A_177] : memref<8x4096xf32, #tpu.memory_space<vmem>>[vector<16xi32>, vector<16xi32>], vector<16xf32>,
        %gather3A_197 = tpu.vector_load_idx %arg6[%broadcast_in_dim3A_58, %get3A_165] : memref<8x4096xf32, #tpu.memory_space<vmem>>[vector<16xi32>, vector<16xi32>], vector<16xf32>,
        %gather3A_198 = tpu.vector_load_idx %arg6[%broadcast_in_dim3A_58, %get3A_169] : memref<8x4096xf32, #tpu.memory_space<vmem>>[vector<16xi32>, vector<16xi32>], vector<16xf32>,
        %gather3A_199 = tpu.vector_load_idx %arg6[%broadcast_in_dim3A_58, %get3A_173] : memref<8x4096xf32, #tpu.memory_space<vmem>>[vector<16xi32>, vector<16xi32>], vector<16xf32>,
        %gather3A_200 = tpu.vector_load_idx %arg6[%broadcast_in_dim3A_58, %get3A_177] : memref<8x4096xf32, #tpu.memory_space<vmem>>[vector<16xi32>, vector<16xi32>], vector<16xf32>,
        %gather3A_201 = tpu.vector_load_idx %arg6[%broadcast_in_dim3A_60, %get3A_165] : memref<8x4096xf32, #tpu.memory_space<vmem>>[vector<16xi32>, vector<16xi32>], vector<16xf32>,
        %gather3A_202 = tpu.vector_load_idx %arg6[%broadcast_in_dim3A_60, %get3A_169] : memref<8x4096xf32, #tpu.memory_space<vmem>>[vector<16xi32>, vector<16xi32>], vector<16xf32>,
        %gather3A_203 = tpu.vector_load_idx %arg6[%broadcast_in_dim3A_60, %get3A_173] : memref<8x4096xf32, #tpu.memory_space<vmem>>[vector<16xi32>, vector<16xi32>], vector<16xf32>,
        %gather3A_204 = tpu.vector_load_idx %arg6[%broadcast_in_dim3A_60, %get3A_177] : memref<8x4096xf32, #tpu.memory_space<vmem>>[vector<16xi32>, vector<16xi32>], vector<16xf32>,
        %gather3A_205 = tpu.vector_load_idx %arg6[%broadcast_in_dim3A_62, %get3A_165] : memref<8x4096xf32, #tpu.memory_space<vmem>>[vector<16xi32>, vector<16xi32>], vector<16xf32>,
        %gather3A_206 = tpu.vector_load_idx %arg6[%broadcast_in_dim3A_62, %get3A_169] : memref<8x4096xf32, #tpu.memory_space<vmem>>[vector<16xi32>, vector<16xi32>], vector<16xf32>,
        %gather3A_207 = tpu.vector_load_idx %arg6[%broadcast_in_dim3A_62, %get3A_173] : memref<8x4096xf32, #tpu.memory_space<vmem>>[vector<16xi32>, vector<16xi32>], vector<16xf32>,
        %gather3A_208 = tpu.vector_load_idx %arg6[%broadcast_in_dim3A_62, %get3A_177] : memref<8x4096xf32, #tpu.memory_space<vmem>>[vector<16xi32>, vector<16xi32>], vector<16xf32>,
        %add3A_209 = arith.constant 0 : i32
        %add3A_210 = arith.addi %mul3A_162, %add3A_209 : i32
        %swap3A = arith.constant 0 : i32
        %swap3A_211 = arith.index_cast %swap3A : i32 to index
        %swap3A_212 = arith.index_cast %add3A_210 : i32 to index
        %swap3A_213 = tpu.vector_load %arg8[%swap3A_211, %swap3A_212] {strides = array<i32>} : memref<4x4096xf32, #tpu.memory_space<vmem>>, vector<16xf32>,
        tpu.vector_store %arg8[%swap3A_211, %swap3A_212], %gather3A {strides = array<i32>} : memref<4x4096xf32, #tpu.memory_space<vmem>>, vector<16xf32>,
        %add3A_214 = arith.constant 16 : i32
        %add3A_215 = arith.addi %mul3A_162, %add3A_214 : i32
        %swap3A_216 = arith.constant 0 : i32
        %swap3A_217 = arith.index_cast %swap3A_216 : i32 to index
        %swap3A_218 = arith.index_cast %add3A_215 : i32 to index
        %swap3A_219 = tpu.vector_load %arg8[%swap3A_217, %swap3A_218] {strides = array<i32>} : memref<4x4096xf32, #tpu.memory_space<vmem>>, vector<16xf32>,
        tpu.vector_store %arg8[%swap3A_217, %swap3A_218], %gather3A_178 {strides = array<i32>} : memref<4x4096xf32, #tpu.memory_space<vmem>>, vector<16xf32>,
        %add3A_220 = arith.constant 32 : i32
        %add3A_221 = arith.addi %mul3A_162, %add3A_220 : i32
        %swap3A_222 = arith.constant 0 : i32
        %swap3A_223 = arith.index_cast %swap3A_222 : i32 to index
        %swap3A_224 = arith.index_cast %add3A_221 : i32 to index
        %swap3A_225 = tpu.vector_load %arg8[%swap3A_223, %swap3A_224] {strides = array<i32>} : memref<4x4096xf32, #tpu.memory_space<vmem>>, vector<16xf32>,
        tpu.vector_store %arg8[%swap3A_223, %swap3A_224], %gather3A_179 {strides = array<i32>} : memref<4x4096xf32, #tpu.memory_space<vmem>>, vector<16xf32>,
        %add3A_226 = arith.constant 48 : i32
        %add3A_227 = arith.addi %mul3A_162, %add3A_226 : i32
        %swap3A_228 = arith.constant 0 : i32
        %swap3A_229 = arith.index_cast %swap3A_228 : i32 to index
        %swap3A_230 = arith.index_cast %add3A_227 : i32 to index
        %swap3A_231 = tpu.vector_load %arg8[%swap3A_229, %swap3A_230] {strides = array<i32>} : memref<4x4096xf32, #tpu.memory_space<vmem>>, vector<16xf32>,
        tpu.vector_store %arg8[%swap3A_229, %swap3A_230], %gather3A_180 {strides = array<i32>} : memref<4x4096xf32, #tpu.memory_space<vmem>>, vector<16xf32>,
        %add3A_232 = arith.constant 0 : i32
        %add3A_233 = arith.addi %mul3A_162, %add3A_232 : i32
        %swap3A_234 = arith.constant 1 : i32
        %swap3A_235 = arith.index_cast %swap3A_234 : i32 to index
        %swap3A_236 = arith.index_cast %add3A_233 : i32 to index
        %swap3A_237 = tpu.vector_load %arg8[%swap3A_235, %swap3A_236] {strides = array<i32>} : memref<4x4096xf32, #tpu.memory_space<vmem>>, vector<16xf32>,
        tpu.vector_store %arg8[%swap3A_235, %swap3A_236], %gather3A_181 {strides = array<i32>} : memref<4x4096xf32, #tpu.memory_space<vmem>>, vector<16xf32>,
        %add3A_238 = arith.constant 16 : i32
        %add3A_239 = arith.addi %mul3A_162, %add3A_238 : i32
        %swap3A_240 = arith.constant 1 : i32
        %swap3A_241 = arith.index_cast %swap3A_240 : i32 to index
        %swap3A_242 = arith.index_cast %add3A_239 : i32 to index
        %swap3A_243 = tpu.vector_load %arg8[%swap3A_241, %swap3A_242] {strides = array<i32>} : memref<4x4096xf32, #tpu.memory_space<vmem>>, vector<16xf32>,
        tpu.vector_store %arg8[%swap3A_241, %swap3A_242], %gather3A_182 {strides = array<i32>} : memref<4x4096xf32, #tpu.memory_space<vmem>>, vector<16xf32>,
        %add3A_244 = arith.constant 32 : i32
        %add3A_245 = arith.addi %mul3A_162, %add3A_244 : i32
        %swap3A_246 = arith.constant 1 : i32
        %swap3A_247 = arith.index_cast %swap3A_246 : i32 to index
        %swap3A_248 = arith.index_cast %add3A_245 : i32 to index
        %swap3A_249 = tpu.vector_load %arg8[%swap3A_247, %swap3A_248] {strides = array<i32>} : memref<4x4096xf32, #tpu.memory_space<vmem>>, vector<16xf32>,
        tpu.vector_store %arg8[%swap3A_247, %swap3A_248], %gather3A_183 {strides = array<i32>} : memref<4x4096xf32, #tpu.memory_space<vmem>>, vector<16xf32>,
        %add3A_250 = arith.constant 48 : i32
        %add3A_251 = arith.addi %mul3A_162, %add3A_250 : i32
        %swap3A_252 = arith.constant 1 : i32
        %swap3A_253 = arith.index_cast %swap3A_252 : i32 to index
        %swap3A_254 = arith.index_cast %add3A_251 : i32 to index
        %swap3A_255 = tpu.vector_load %arg8[%swap3A_253, %swap3A_254] {strides = array<i32>} : memref<4x4096xf32, #tpu.memory_space<vmem>>, vector<16xf32>,
        tpu.vector_store %arg8[%swap3A_253, %swap3A_254], %gather3A_184 {strides = array<i32>} : memref<4x4096xf32, #tpu.memory_space<vmem>>, vector<16xf32>,
        %add3A_256 = arith.constant 0 : i32
        %add3A_257 = arith.addi %mul3A_162, %add3A_256 : i32
        %swap3A_258 = arith.constant 2 : i32
        %swap3A_259 = arith.index_cast %swap3A_258 : i32 to index
        %swap3A_260 = arith.index_cast %add3A_257 : i32 to index
        %swap3A_261 = tpu.vector_load %arg8[%swap3A_259, %swap3A_260] {strides = array<i32>} : memref<4x4096xf32, #tpu.memory_space<vmem>>, vector<16xf32>,
        tpu.vector_store %arg8[%swap3A_259, %swap3A_260], %gather3A_185 {strides = array<i32>} : memref<4x4096xf32, #tpu.memory_space<vmem>>, vector<16xf32>,
        %add3A_262 = arith.constant 16 : i32
        %add3A_263 = arith.addi %mul3A_162, %add3A_262 : i32
        %swap3A_264 = arith.constant 2 : i32
        %swap3A_265 = arith.index_cast %swap3A_264 : i32 to index
        %swap3A_266 = arith.index_cast %add3A_263 : i32 to index
        %swap3A_267 = tpu.vector_load %arg8[%swap3A_265, %swap3A_266] {strides = array<i32>} : memref<4x4096xf32, #tpu.memory_space<vmem>>, vector<16xf32>,
        tpu.vector_store %arg8[%swap3A_265, %swap3A_266], %gather3A_186 {strides = array<i32>} : memref<4x4096xf32, #tpu.memory_space<vmem>>, vector<16xf32>,
        %add3A_268 = arith.constant 32 : i32
        %add3A_269 = arith.addi %mul3A_162, %add3A_268 : i32
        %swap3A_270 = arith.constant 2 : i32
        %swap3A_271 = arith.index_cast %swap3A_270 : i32 to index
        %swap3A_272 = arith.index_cast %add3A_269 : i32 to index
        %swap3A_273 = tpu.vector_load %arg8[%swap3A_271, %swap3A_272] {strides = array<i32>} : memref<4x4096xf32, #tpu.memory_space<vmem>>, vector<16xf32>,
        tpu.vector_store %arg8[%swap3A_271, %swap3A_272], %gather3A_187 {strides = array<i32>} : memref<4x4096xf32, #tpu.memory_space<vmem>>, vector<16xf32>,
        %add3A_274 = arith.constant 48 : i32
        %add3A_275 = arith.addi %mul3A_162, %add3A_274 : i32
        %swap3A_276 = arith.constant 2 : i32
        %swap3A_277 = arith.index_cast %swap3A_276 : i32 to index
        %swap3A_278 = arith.index_cast %add3A_275 : i32 to index
        %swap3A_279 = tpu.vector_load %arg8[%swap3A_277, %swap3A_278] {strides = array<i32>} : memref<4x4096xf32, #tpu.memory_space<vmem>>, vector<16xf32>,
        tpu.vector_store %arg8[%swap3A_277, %swap3A_278], %gather3A_188 {strides = array<i32>} : memref<4x4096xf32, #tpu.memory_space<vmem>>, vector<16xf32>,
        %add3A_280 = arith.constant 0 : i32
        %add3A_281 = arith.addi %mul3A_162, %add3A_280 : i32
        %swap3A_282 = arith.constant 3 : i32
        %swap3A_283 = arith.index_cast %swap3A_282 : i32 to index
        %swap3A_284 = arith.index_cast %add3A_281 : i32 to index
        %swap3A_285 = tpu.vector_load %arg8[%swap3A_283, %swap3A_284] {strides = array<i32>} : memref<4x4096xf32, #tpu.memory_space<vmem>>, vector<16xf32>,
        tpu.vector_store %arg8[%swap3A_283, %swap3A_284], %gather3A_189 {strides = array<i32>} : memref<4x4096xf32, #tpu.memory_space<vmem>>, vector<16xf32>,
        %add3A_286 = arith.constant 16 : i32
        %add3A_287 = arith.addi %mul3A_162, %add3A_286 : i32
        %swap3A_288 = arith.constant 3 : i32
        %swap3A_289 = arith.index_cast %swap3A_288 : i32 to index
        %swap3A_290 = arith.index_cast %add3A_287 : i32 to index
        %swap3A_291 = tpu.vector_load %arg8[%swap3A_289, %swap3A_290] {strides = array<i32>} : memref<4x4096xf32, #tpu.memory_space<vmem>>, vector<16xf32>,
        tpu.vector_store %arg8[%swap3A_289, %swap3A_290], %gather3A_190 {strides = array<i32>} : memref<4x4096xf32, #tpu.memory_space<vmem>>, vector<16xf32>,
        %add3A_292 = arith.constant 32 : i32
        %add3A_293 = arith.addi %mul3A_162, %add3A_292 : i32
        %swap3A_294 = arith.constant 3 : i32
        %swap3A_295 = arith.index_cast %swap3A_294 : i32 to index
        %swap3A_296 = arith.index_cast %add3A_293 : i32 to index
        %swap3A_297 = tpu.vector_load %arg8[%swap3A_295, %swap3A_296] {strides = array<i32>} : memref<4x4096xf32, #tpu.memory_space<vmem>>, vector<16xf32>,
        tpu.vector_store %arg8[%swap3A_295, %swap3A_296], %gather3A_191 {strides = array<i32>} : memref<4x4096xf32, #tpu.memory_space<vmem>>, vector<16xf32>,
        %add3A_298 = arith.constant 48 : i32
        %add3A_299 = arith.addi %mul3A_162, %add3A_298 : i32
        %swap3A_300 = arith.constant 3 : i32
        %swap3A_301 = arith.index_cast %swap3A_300 : i32 to index
        %swap3A_302 = arith.index_cast %add3A_299 : i32 to index
        %swap3A_303 = tpu.vector_load %arg8[%swap3A_301, %swap3A_302] {strides = array<i32>} : memref<4x4096xf32, #tpu.memory_space<vmem>>, vector<16xf32>,
        tpu.vector_store %arg8[%swap3A_301, %swap3A_302], %gather3A_192 {strides = array<i32>} : memref<4x4096xf32, #tpu.memory_space<vmem>>, vector<16xf32>,
        %add3A_304 = arith.constant 0 : i32
        %add3A_305 = arith.addi %mul3A_162, %add3A_304 : i32
        %swap3A_306 = arith.constant 0 : i32
        %swap3A_307 = arith.index_cast %swap3A_306 : i32 to index
        %swap3A_308 = arith.index_cast %add3A_305 : i32 to index
        %swap3A_309 = tpu.vector_load %arg9[%swap3A_307, %swap3A_308] {strides = array<i32>} : memref<4x4096xf32, #tpu.memory_space<vmem>>, vector<16xf32>,
        tpu.vector_store %arg9[%swap3A_307, %swap3A_308], %gather3A_193 {strides = array<i32>} : memref<4x4096xf32, #tpu.memory_space<vmem>>, vector<16xf32>,
        %add3A_310 = arith.constant 16 : i32
        %add3A_311 = arith.addi %mul3A_162, %add3A_310 : i32
        %swap3A_312 = arith.constant 0 : i32
        %swap3A_313 = arith.index_cast %swap3A_312 : i32 to index
        %swap3A_314 = arith.index_cast %add3A_311 : i32 to index
        %swap3A_315 = tpu.vector_load %arg9[%swap3A_313, %swap3A_314] {strides = array<i32>} : memref<4x4096xf32, #tpu.memory_space<vmem>>, vector<16xf32>,
        tpu.vector_store %arg9[%swap3A_313, %swap3A_314], %gather3A_194 {strides = array<i32>} : memref<4x4096xf32, #tpu.memory_space<vmem>>, vector<16xf32>,
        %add3A_316 = arith.constant 32 : i32
        %add3A_317 = arith.addi %mul3A_162, %add3A_316 : i32
        %swap3A_318 = arith.constant 0 : i32
        %swap3A_319 = arith.index_cast %swap3A_318 : i32 to index
        %swap3A_320 = arith.index_cast %add3A_317 : i32 to index
        %swap3A_321 = tpu.vector_load %arg9[%swap3A_319, %swap3A_320] {strides = array<i32>} : memref<4x4096xf32, #tpu.memory_space<vmem>>, vector<16xf32>,
        tpu.vector_store %arg9[%swap3A_319, %swap3A_320], %gather3A_195 {strides = array<i32>} : memref<4x4096xf32, #tpu.memory_space<vmem>>, vector<16xf32>,
        %add3A_322 = arith.constant 48 : i32
        %add3A_323 = arith.addi %mul3A_162, %add3A_322 : i32
        %swap3A_324 = arith.constant 0 : i32
        %swap3A_325 = arith.index_cast %swap3A_324 : i32 to index
        %swap3A_326 = arith.index_cast %add3A_323 : i32 to index
        %swap3A_327 = tpu.vector_load %arg9[%swap3A_325, %swap3A_326] {strides = array<i32>} : memref<4x4096xf32, #tpu.memory_space<vmem>>, vector<16xf32>,
        tpu.vector_store %arg9[%swap3A_325, %swap3A_326], %gather3A_196 {strides = array<i32>} : memref<4x4096xf32, #tpu.memory_space<vmem>>, vector<16xf32>,
        %add3A_328 = arith.constant 0 : i32
        %add3A_329 = arith.addi %mul3A_162, %add3A_328 : i32
        %swap3A_330 = arith.constant 1 : i32
        %swap3A_331 = arith.index_cast %swap3A_330 : i32 to index
        %swap3A_332 = arith.index_cast %add3A_329 : i32 to index
        %swap3A_333 = tpu.vector_load %arg9[%swap3A_331, %swap3A_332] {strides = array<i32>} : memref<4x4096xf32, #tpu.memory_space<vmem>>, vector<16xf32>,
        tpu.vector_store %arg9[%swap3A_331, %swap3A_332], %gather3A_197 {strides = array<i32>} : memref<4x4096xf32, #tpu.memory_space<vmem>>, vector<16xf32>,
        %add3A_334 = arith.constant 16 : i32
        %add3A_335 = arith.addi %mul3A_162, %add3A_334 : i32
        %swap3A_336 = arith.constant 1 : i32
        %swap3A_337 = arith.index_cast %swap3A_336 : i32 to index
        %swap3A_338 = arith.index_cast %add3A_335 : i32 to index
        %swap3A_339 = tpu.vector_load %arg9[%swap3A_337, %swap3A_338] {strides = array<i32>} : memref<4x4096xf32, #tpu.memory_space<vmem>>, vector<16xf32>,
        tpu.vector_store %arg9[%swap3A_337, %swap3A_338], %gather3A_198 {strides = array<i32>} : memref<4x4096xf32, #tpu.memory_space<vmem>>, vector<16xf32>,
        %add3A_340 = arith.constant 32 : i32
        %add3A_341 = arith.addi %mul3A_162, %add3A_340 : i32
        %swap3A_342 = arith.constant 1 : i32
        %swap3A_343 = arith.index_cast %swap3A_342 : i32 to index
        %swap3A_344 = arith.index_cast %add3A_341 : i32 to index
        %swap3A_345 = tpu.vector_load %arg9[%swap3A_343, %swap3A_344] {strides = array<i32>} : memref<4x4096xf32, #tpu.memory_space<vmem>>, vector<16xf32>,
        tpu.vector_store %arg9[%swap3A_343, %swap3A_344], %gather3A_199 {strides = array<i32>} : memref<4x4096xf32, #tpu.memory_space<vmem>>, vector<16xf32>,
        %add3A_346 = arith.constant 48 : i32
        %add3A_347 = arith.addi %mul3A_162, %add3A_346 : i32
        %swap3A_348 = arith.constant 1 : i32
        %swap3A_349 = arith.index_cast %swap3A_348 : i32 to index
        %swap3A_350 = arith.index_cast %add3A_347 : i32 to index
        %swap3A_351 = tpu.vector_load %arg9[%swap3A_349, %swap3A_350] {strides = array<i32>} : memref<4x4096xf32, #tpu.memory_space<vmem>>, vector<16xf32>,
        tpu.vector_store %arg9[%swap3A_349, %swap3A_350], %gather3A_200 {strides = array<i32>} : memref<4x4096xf32, #tpu.memory_space<vmem>>, vector<16xf32>,
        %add3A_352 = arith.constant 0 : i32
        %add3A_353 = arith.addi %mul3A_162, %add3A_352 : i32
        %swap3A_354 = arith.constant 2 : i32
        %swap3A_355 = arith.index_cast %swap3A_354 : i32 to index
        %swap3A_356 = arith.index_cast %add3A_353 : i32 to index
        %swap3A_357 = tpu.vector_load %arg9[%swap3A_355, %swap3A_356] {strides = array<i32>} : memref<4x4096xf32, #tpu.memory_space<vmem>>, vector<16xf32>,
        tpu.vector_store %arg9[%swap3A_355, %swap3A_356], %gather3A_201 {strides = array<i32>} : memref<4x4096xf32, #tpu.memory_space<vmem>>, vector<16xf32>,
        %add3A_358 = arith.constant 16 : i32
        %add3A_359 = arith.addi %mul3A_162, %add3A_358 : i32
        %swap3A_360 = arith.constant 2 : i32
        %swap3A_361 = arith.index_cast %swap3A_360 : i32 to index
        %swap3A_362 = arith.index_cast %add3A_359 : i32 to index
        %swap3A_363 = tpu.vector_load %arg9[%swap3A_361, %swap3A_362] {strides = array<i32>} : memref<4x4096xf32, #tpu.memory_space<vmem>>, vector<16xf32>,
        tpu.vector_store %arg9[%swap3A_361, %swap3A_362], %gather3A_202 {strides = array<i32>} : memref<4x4096xf32, #tpu.memory_space<vmem>>, vector<16xf32>,
        %add3A_364 = arith.constant 32 : i32
        %add3A_365 = arith.addi %mul3A_162, %add3A_364 : i32
        %swap3A_366 = arith.constant 2 : i32
        %swap3A_367 = arith.index_cast %swap3A_366 : i32 to index
        %swap3A_368 = arith.index_cast %add3A_365 : i32 to index
        %swap3A_369 = tpu.vector_load %arg9[%swap3A_367, %swap3A_368] {strides = array<i32>} : memref<4x4096xf32, #tpu.memory_space<vmem>>, vector<16xf32>,
        tpu.vector_store %arg9[%swap3A_367, %swap3A_368], %gather3A_203 {strides = array<i32>} : memref<4x4096xf32, #tpu.memory_space<vmem>>, vector<16xf32>,
        %add3A_370 = arith.constant 48 : i32
        %add3A_371 = arith.addi %mul3A_162, %add3A_370 : i32
        %swap3A_372 = arith.constant 2 : i32
        %swap3A_373 = arith.index_cast %swap3A_372 : i32 to index
        %swap3A_374 = arith.index_cast %add3A_371 : i32 to index
        %swap3A_375 = tpu.vector_load %arg9[%swap3A_373, %swap3A_374] {strides = array<i32>} : memref<4x4096xf32, #tpu.memory_space<vmem>>, vector<16xf32>,
        tpu.vector_store %arg9[%swap3A_373, %swap3A_374], %gather3A_204 {strides = array<i32>} : memref<4x4096xf32, #tpu.memory_space<vmem>>, vector<16xf32>,
        %add3A_376 = arith.constant 0 : i32
        %add3A_377 = arith.addi %mul3A_162, %add3A_376 : i32
        %swap3A_378 = arith.constant 3 : i32
        %swap3A_379 = arith.index_cast %swap3A_378 : i32 to index
        %swap3A_380 = arith.index_cast %add3A_377 : i32 to index
        %swap3A_381 = tpu.vector_load %arg9[%swap3A_379, %swap3A_380] {strides = array<i32>} : memref<4x4096xf32, #tpu.memory_space<vmem>>, vector<16xf32>,
        tpu.vector_store %arg9[%swap3A_379, %swap3A_380], %gather3A_205 {strides = array<i32>} : memref<4x4096xf32, #tpu.memory_space<vmem>>, vector<16xf32>,
        %add3A_382 = arith.constant 16 : i32
        %add3A_383 = arith.addi %mul3A_162, %add3A_382 : i32
        %swap3A_384 = arith.constant 3 : i32
        %swap3A_385 = arith.index_cast %swap3A_384 : i32 to index
        %swap3A_386 = arith.index_cast %add3A_383 : i32 to index
        %swap3A_387 = tpu.vector_load %arg9[%swap3A_385, %swap3A_386] {strides = array<i32>} : memref<4x4096xf32, #tpu.memory_space<vmem>>, vector<16xf32>,
        tpu.vector_store %arg9[%swap3A_385, %swap3A_386], %gather3A_206 {strides = array<i32>} : memref<4x4096xf32, #tpu.memory_space<vmem>>, vector<16xf32>,
        %add3A_388 = arith.constant 32 : i32
        %add3A_389 = arith.addi %mul3A_162, %add3A_388 : i32
        %swap3A_390 = arith.constant 3 : i32
        %swap3A_391 = arith.index_cast %swap3A_390 : i32 to index
        %swap3A_392 = arith.index_cast %add3A_389 : i32 to index
        %swap3A_393 = tpu.vector_load %arg9[%swap3A_391, %swap3A_392] {strides = array<i32>} : memref<4x4096xf32, #tpu.memory_space<vmem>>, vector<16xf32>,
        tpu.vector_store %arg9[%swap3A_391, %swap3A_392], %gather3A_207 {strides = array<i32>} : memref<4x4096xf32, #tpu.memory_space<vmem>>, vector<16xf32>,
        %add3A_394 = arith.constant 48 : i32
        %add3A_395 = arith.addi %mul3A_162, %add3A_394 : i32
        %swap3A_396 = arith.constant 3 : i32
        %swap3A_397 = arith.index_cast %swap3A_396 : i32 to index
        %swap3A_398 = arith.index_cast %add3A_395 : i32 to index
        %swap3A_399 = tpu.vector_load %arg9[%swap3A_397, %swap3A_398] {strides = array<i32>} : memref<4x4096xf32, #tpu.memory_space<vmem>>, vector<16xf32>,
        tpu.vector_store %arg9[%swap3A_397, %swap3A_398], %gather3A_208 {strides = array<i32>} : memref<4x4096xf32, #tpu.memory_space<vmem>>, vector<16xf32>,
      }
      %scan3A_67 = arith.constant 64 : i32
      %mul3A_68 = arith.constant 8 : i32
      %mul3A_69 = arith.muli %add3A_29, %mul3A_68 : i32
      %add3A_70 = arith.addi %mul3A_2, %mul3A_69 : i32
      %dma_start3A_71 = arith.constant 0 : i32
      %dma_start3A_72 = tpu.memref_slice %arg4[%add3A_70, %dma_start3A_71] : memref<8192x4096xf32, #tpu.memory_space<hbm>> -> memref<4x4096xf32, #tpu.memory_space<hbm>>
      %dma_start3A_73 = arith.constant 0 : i32
      %dma_start3A_74 = tpu.memref_slice %arg4[%add3A_70, %dma_start3A_73] : memref<8192x4096xf32, #tpu.memory_space<hbm>> -> memref<4x4096xf32, #tpu.memory_space<hbm>>
      tpu.enqueue_dma source(%arg8 : memref<4x4096xf32, #tpu.memory_space<vmem>>) target(%dma_start3A_74 : memref<4x4096xf32, #tpu.memory_space<hbm>>) target_semaphore(%arg12 : memref<!tpu.dma_semaphore, #tpu.memory_space<semaphore_mem>>)
      %mul3A_75 = arith.constant 8 : i32
      %mul3A_76 = arith.muli %add3A_29, %mul3A_75 : i32
      %add3A_77 = arith.addi %mul3A_2, %mul3A_76 : i32
      %add3A_78 = arith.constant 4 : i32
      %add3A_79 = arith.addi %add3A_77, %add3A_78 : i32
      %dma_start3A_80 = arith.constant 0 : i32
      %dma_start3A_81 = tpu.memref_slice %arg4[%add3A_79, %dma_start3A_80] : memref<8192x4096xf32, #tpu.memory_space<hbm>> -> memref<4x4096xf32, #tpu.memory_space<hbm>>
      %dma_start3A_82 = arith.constant 0 : i32
      %dma_start3A_83 = tpu.memref_slice %arg4[%add3A_79, %dma_start3A_82] : memref<8192x4096xf32, #tpu.memory_space<hbm>> -> memref<4x4096xf32, #tpu.memory_space<hbm>>
      tpu.enqueue_dma source(%arg9 : memref<4x4096xf32, #tpu.memory_space<vmem>>) target(%dma_start3A_83 : memref<4x4096xf32, #tpu.memory_space<hbm>>) target_semaphore(%arg13 : memref<!tpu.dma_semaphore, #tpu.memory_space<semaphore_mem>>)
      %add3A_84 = arith.constant 2 : i32
      %add3A_85 = arith.addi %add3A_29, %add3A_84 : i32
      %lt3A = arith.constant 32 : i32
      %lt3A_86 = arith.cmpi slt, %add3A_85, %lt3A : i32
      %convert_element_type3A_87 = arith.extui %lt3A_86 : i1 to i32
      %cond3A_88 = arith.constant 0 : i32
      %cond3A_89 = arith.cmpi ne, %convert_element_type3A_87, %cond3A_88 : i32
      scf.if %cond3A_89 {
        %add3A_156 = arith.constant 2 : i32
        %add3A_157 = arith.addi %add3A_29, %add3A_156 : i32
        %mul3A_158 = arith.constant 8 : i32
        %mul3A_159 = arith.muli %add3A_157, %mul3A_158 : i32
        %add3A_160 = arith.addi %mul3A_2, %mul3A_159 : i32
        %dma_start3A_161 = arith.constant 0 : i32
        %dma_start3A_162 = tpu.memref_slice %arg2[%add3A_160, %dma_start3A_161] : memref<8192x4096xf32, #tpu.memory_space<hbm>> -> memref<8x4096xf32, #tpu.memory_space<hbm>>
        %dma_start3A_163 = arith.constant 0 : i32
        %dma_start3A_164 = tpu.memref_slice %arg2[%add3A_160, %dma_start3A_163] : memref<8192x4096xf32, #tpu.memory_space<hbm>> -> memref<8x4096xf32, #tpu.memory_space<hbm>>
        tpu.enqueue_dma source(%dma_start3A_164 : memref<8x4096xf32, #tpu.memory_space<hbm>>) target(%arg6 : memref<8x4096xf32, #tpu.memory_space<vmem>>) target_semaphore(%arg10 : memref<!tpu.dma_semaphore, #tpu.memory_space<semaphore_mem>>)
      } else {
      }
      %add3A_90 = arith.constant 1 : i32
      %add3A_91 = arith.addi %add3A_29, %add3A_90 : i32
      %mul3A_92 = arith.constant 8 : i32
      %mul3A_93 = arith.muli %add3A_91, %mul3A_92 : i32
      %add3A_94 = arith.addi %mul3A_2, %mul3A_93 : i32
      %dma_wait3A_95 = arith.constant 0 : i32
      %dma_wait3A_96 = tpu.memref_slice %arg2[%add3A_94, %dma_wait3A_95] : memref<8192x4096xf32, #tpu.memory_space<hbm>> -> memref<8x4096xf32, #tpu.memory_space<hbm>>
      %dma_wait3A_97 = arith.constant 0 : i32
      %dma_wait3A_98 = tpu.memref_slice %arg2[%add3A_94, %dma_wait3A_97] : memref<8192x4096xf32, #tpu.memory_space<hbm>> -> memref<8x4096xf32, #tpu.memory_space<hbm>>
      tpu.wait_dma2 semaphore(%arg11 : memref<!tpu.dma_semaphore, #tpu.memory_space<semaphore_mem>>) src(%dma_wait3A_98 : memref<8x4096xf32, #tpu.memory_space<hbm>>) dst(%arg7 : memref<8x4096xf32, #tpu.memory_space<vmem>>)
      %mul3A_99 = arith.constant 8 : i32
      %mul3A_100 = arith.muli %add3A_29, %mul3A_99 : i32
      %add3A_101 = arith.addi %mul3A_2, %mul3A_100 : i32
      %dma_wait3A_102 = arith.constant 0 : i32
      %dma_wait3A_103 = tpu.memref_slice %arg4[%add3A_101, %dma_wait3A_102] : memref<8192x4096xf32, #tpu.memory_space<hbm>> -> memref<4x4096xf32, #tpu.memory_space<hbm>>
      %dma_wait3A_104 = arith.constant 0 : i32
      %dma_wait3A_105 = tpu.memref_slice %arg4[%add3A_101, %dma_wait3A_104] : memref<8192x4096xf32, #tpu.memory_space<hbm>> -> memref<4x4096xf32, #tpu.memory_space<hbm>>
      tpu.wait_dma2 semaphore(%arg12 : memref<!tpu.dma_semaphore, #tpu.memory_space<semaphore_mem>>) src(%arg8 : memref<4x4096xf32, #tpu.memory_space<vmem>>) dst(%dma_wait3A_105 : memref<4x4096xf32, #tpu.memory_space<hbm>>)
      %mul3A_106 = arith.constant 8 : i32
      %mul3A_107 = arith.muli %add3A_29, %mul3A_106 : i32
      %add3A_108 = arith.addi %mul3A_2, %mul3A_107 : i32
      %add3A_109 = arith.constant 4 : i32
      %add3A_110 = arith.addi %add3A_108, %add3A_109 : i32
      %dma_wait3A_111 = arith.constant 0 : i32
      %dma_wait3A_112 = tpu.memref_slice %arg4[%add3A_110, %dma_wait3A_111] : memref<8192x4096xf32, #tpu.memory_space<hbm>> -> memref<4x4096xf32, #tpu.memory_space<hbm>>
      %dma_wait3A_113 = arith.constant 0 : i32
      %dma_wait3A_114 = tpu.memref_slice %arg4[%add3A_110, %dma_wait3A_113] : memref<8192x4096xf32, #tpu.memory_space<hbm>> -> memref<4x4096xf32, #tpu.memory_space<hbm>>
      tpu.wait_dma2 semaphore(%arg13 : memref<!tpu.dma_semaphore, #tpu.memory_space<semaphore_mem>>) src(%arg9 : memref<4x4096xf32, #tpu.memory_space<vmem>>) dst(%dma_wait3A_114 : memref<4x4096xf32, #tpu.memory_space<hbm>>)
      %broadcast_in_dim3A_115 = arith.constant 0 : i32
      %broadcast_in_dim3A_116 = vector.broadcast %broadcast_in_dim3A_115 : i32 to vector<16xi32>
      %broadcast_in_dim3A_117 = arith.constant 1 : i32
      %broadcast_in_dim3A_118 = vector.broadcast %broadcast_in_dim3A_117 : i32 to vector<16xi32>
      %broadcast_in_dim3A_119 = arith.constant 2 : i32
      %broadcast_in_dim3A_120 = vector.broadcast %broadcast_in_dim3A_119 : i32 to vector<16xi32>
      %broadcast_in_dim3A_121 = arith.constant 3 : i32
      %broadcast_in_dim3A_122 = vector.broadcast %broadcast_in_dim3A_121 : i32 to vector<16xi32>
      %broadcast_in_dim3A_123 = arith.constant 4 : i32
      %broadcast_in_dim3A_124 = vector.broadcast %broadcast_in_dim3A_123 : i32 to vector<16xi32>
      %broadcast_in_dim3A_125 = arith.constant 5 : i32
      %broadcast_in_dim3A_126 = vector.broadcast %broadcast_in_dim3A_125 : i32 to vector<16xi32>
      %broadcast_in_dim3A_127 = arith.constant 6 : i32
      %broadcast_in_dim3A_128 = vector.broadcast %broadcast_in_dim3A_127 : i32 to vector<16xi32>
      %broadcast_in_dim3A_129 = arith.constant 7 : i32
      %broadcast_in_dim3A_130 = vector.broadcast %broadcast_in_dim3A_129 : i32 to vector<16xi32>
      %scan3A_131 = arith.constant 0 : i32
      %scan3A_132 = arith.constant 64 : i32
      %scan3A_133 = arith.addi %scan3A_131, %scan3A_132 : i32
      %scan3A_134 = arith.constant 1 : i32
      scf.for %scan3A_156 = %scan3A_131 to %scan3A_133 step %scan3A_134  : i32 {
        %mul3A_157 = arith.constant 4 : i32
        %mul3A_158 = arith.muli %scan3A_156, %mul3A_157 : i32
        %add3A_159 = arith.constant 0 : i32
        %add3A_160 = arith.addi %add3A_159, %mul3A_158 : i32
        %mul3A_161 = arith.constant 16 : i32
        %mul3A_162 = arith.muli %add3A_160, %mul3A_161 : i32
        %add3A_163 = arith.constant 0 : i32
        %add3A_164 = arith.addi %mul3A_162, %add3A_163 : i32
        %get3A = arith.index_cast %add3A_164 : i32 to index
        %get3A_165 = tpu.vector_load %arg5[%get3A] {strides = array<i32>} : memref<4096xi32, #tpu.memory_space<vmem>>, vector<16xi32>,
        %add3A_166 = arith.constant 16 : i32
        %add3A_167 = arith.addi %mul3A_162, %add3A_166 : i32
        %get3A_168 = arith.index_cast %add3A_167 : i32 to index
        %get3A_169 = tpu.vector_load %arg5[%get3A_168] {strides = array<i32>} : memref<4096xi32, #tpu.memory_space<vmem>>, vector<16xi32>,
        %add3A_170 = arith.constant 32 : i32
        %add3A_171 = arith.addi %mul3A_162, %add3A_170 : i32
        %get3A_172 = arith.index_cast %add3A_171 : i32 to index
        %get3A_173 = tpu.vector_load %arg5[%get3A_172] {strides = array<i32>} : memref<4096xi32, #tpu.memory_space<vmem>>, vector<16xi32>,
        %add3A_174 = arith.constant 48 : i32
        %add3A_175 = arith.addi %mul3A_162, %add3A_174 : i32
        %get3A_176 = arith.index_cast %add3A_175 : i32 to index
        %get3A_177 = tpu.vector_load %arg5[%get3A_176] {strides = array<i32>} : memref<4096xi32, #tpu.memory_space<vmem>>, vector<16xi32>,
        %gather3A = tpu.vector_load_idx %arg7[%broadcast_in_dim3A_116, %get3A_165] : memref<8x4096xf32, #tpu.memory_space<vmem>>[vector<16xi32>, vector<16xi32>], vector<16xf32>,
        %gather3A_178 = tpu.vector_load_idx %arg7[%broadcast_in_dim3A_116, %get3A_169] : memref<8x4096xf32, #tpu.memory_space<vmem>>[vector<16xi32>, vector<16xi32>], vector<16xf32>,
        %gather3A_179 = tpu.vector_load_idx %arg7[%broadcast_in_dim3A_116, %get3A_173] : memref<8x4096xf32, #tpu.memory_space<vmem>>[vector<16xi32>, vector<16xi32>], vector<16xf32>,
        %gather3A_180 = tpu.vector_load_idx %arg7[%broadcast_in_dim3A_116, %get3A_177] : memref<8x4096xf32, #tpu.memory_space<vmem>>[vector<16xi32>, vector<16xi32>], vector<16xf32>,
        %gather3A_181 = tpu.vector_load_idx %arg7[%broadcast_in_dim3A_118, %get3A_165] : memref<8x4096xf32, #tpu.memory_space<vmem>>[vector<16xi32>, vector<16xi32>], vector<16xf32>,
        %gather3A_182 = tpu.vector_load_idx %arg7[%broadcast_in_dim3A_118, %get3A_169] : memref<8x4096xf32, #tpu.memory_space<vmem>>[vector<16xi32>, vector<16xi32>], vector<16xf32>,
        %gather3A_183 = tpu.vector_load_idx %arg7[%broadcast_in_dim3A_118, %get3A_173] : memref<8x4096xf32, #tpu.memory_space<vmem>>[vector<16xi32>, vector<16xi32>], vector<16xf32>,
        %gather3A_184 = tpu.vector_load_idx %arg7[%broadcast_in_dim3A_118, %get3A_177] : memref<8x4096xf32, #tpu.memory_space<vmem>>[vector<16xi32>, vector<16xi32>], vector<16xf32>,
        %gather3A_185 = tpu.vector_load_idx %arg7[%broadcast_in_dim3A_120, %get3A_165] : memref<8x4096xf32, #tpu.memory_space<vmem>>[vector<16xi32>, vector<16xi32>], vector<16xf32>,
        %gather3A_186 = tpu.vector_load_idx %arg7[%broadcast_in_dim3A_120, %get3A_169] : memref<8x4096xf32, #tpu.memory_space<vmem>>[vector<16xi32>, vector<16xi32>], vector<16xf32>,
        %gather3A_187 = tpu.vector_load_idx %arg7[%broadcast_in_dim3A_120, %get3A_173] : memref<8x4096xf32, #tpu.memory_space<vmem>>[vector<16xi32>, vector<16xi32>], vector<16xf32>,
        %gather3A_188 = tpu.vector_load_idx %arg7[%broadcast_in_dim3A_120, %get3A_177] : memref<8x4096xf32, #tpu.memory_space<vmem>>[vector<16xi32>, vector<16xi32>], vector<16xf32>,
        %gather3A_189 = tpu.vector_load_idx %arg7[%broadcast_in_dim3A_122, %get3A_165] : memref<8x4096xf32, #tpu.memory_space<vmem>>[vector<16xi32>, vector<16xi32>], vector<16xf32>,
        %gather3A_190 = tpu.vector_load_idx %arg7[%broadcast_in_dim3A_122, %get3A_169] : memref<8x4096xf32, #tpu.memory_space<vmem>>[vector<16xi32>, vector<16xi32>], vector<16xf32>,
        %gather3A_191 = tpu.vector_load_idx %arg7[%broadcast_in_dim3A_122, %get3A_173] : memref<8x4096xf32, #tpu.memory_space<vmem>>[vector<16xi32>, vector<16xi32>], vector<16xf32>,
        %gather3A_192 = tpu.vector_load_idx %arg7[%broadcast_in_dim3A_122, %get3A_177] : memref<8x4096xf32, #tpu.memory_space<vmem>>[vector<16xi32>, vector<16xi32>], vector<16xf32>,
        %gather3A_193 = tpu.vector_load_idx %arg7[%broadcast_in_dim3A_124, %get3A_165] : memref<8x4096xf32, #tpu.memory_space<vmem>>[vector<16xi32>, vector<16xi32>], vector<16xf32>,
        %gather3A_194 = tpu.vector_load_idx %arg7[%broadcast_in_dim3A_124, %get3A_169] : memref<8x4096xf32, #tpu.memory_space<vmem>>[vector<16xi32>, vector<16xi32>], vector<16xf32>,
        %gather3A_195 = tpu.vector_load_idx %arg7[%broadcast_in_dim3A_124, %get3A_173] : memref<8x4096xf32, #tpu.memory_space<vmem>>[vector<16xi32>, vector<16xi32>], vector<16xf32>,
        %gather3A_196 = tpu.vector_load_idx %arg7[%broadcast_in_dim3A_124, %get3A_177] : memref<8x4096xf32, #tpu.memory_space<vmem>>[vector<16xi32>, vector<16xi32>], vector<16xf32>,
        %gather3A_197 = tpu.vector_load_idx %arg7[%broadcast_in_dim3A_126, %get3A_165] : memref<8x4096xf32, #tpu.memory_space<vmem>>[vector<16xi32>, vector<16xi32>], vector<16xf32>,
        %gather3A_198 = tpu.vector_load_idx %arg7[%broadcast_in_dim3A_126, %get3A_169] : memref<8x4096xf32, #tpu.memory_space<vmem>>[vector<16xi32>, vector<16xi32>], vector<16xf32>,
        %gather3A_199 = tpu.vector_load_idx %arg7[%broadcast_in_dim3A_126, %get3A_173] : memref<8x4096xf32, #tpu.memory_space<vmem>>[vector<16xi32>, vector<16xi32>], vector<16xf32>,
        %gather3A_200 = tpu.vector_load_idx %arg7[%broadcast_in_dim3A_126, %get3A_177] : memref<8x4096xf32, #tpu.memory_space<vmem>>[vector<16xi32>, vector<16xi32>], vector<16xf32>,
        %gather3A_201 = tpu.vector_load_idx %arg7[%broadcast_in_dim3A_128, %get3A_165] : memref<8x4096xf32, #tpu.memory_space<vmem>>[vector<16xi32>, vector<16xi32>], vector<16xf32>,
        %gather3A_202 = tpu.vector_load_idx %arg7[%broadcast_in_dim3A_128, %get3A_169] : memref<8x4096xf32, #tpu.memory_space<vmem>>[vector<16xi32>, vector<16xi32>], vector<16xf32>,
        %gather3A_203 = tpu.vector_load_idx %arg7[%broadcast_in_dim3A_128, %get3A_173] : memref<8x4096xf32, #tpu.memory_space<vmem>>[vector<16xi32>, vector<16xi32>], vector<16xf32>,
        %gather3A_204 = tpu.vector_load_idx %arg7[%broadcast_in_dim3A_128, %get3A_177] : memref<8x4096xf32, #tpu.memory_space<vmem>>[vector<16xi32>, vector<16xi32>], vector<16xf32>,
        %gather3A_205 = tpu.vector_load_idx %arg7[%broadcast_in_dim3A_130, %get3A_165] : memref<8x4096xf32, #tpu.memory_space<vmem>>[vector<16xi32>, vector<16xi32>], vector<16xf32>,
        %gather3A_206 = tpu.vector_load_idx %arg7[%broadcast_in_dim3A_130, %get3A_169] : memref<8x4096xf32, #tpu.memory_space<vmem>>[vector<16xi32>, vector<16xi32>], vector<16xf32>,
        %gather3A_207 = tpu.vector_load_idx %arg7[%broadcast_in_dim3A_130, %get3A_173] : memref<8x4096xf32, #tpu.memory_space<vmem>>[vector<16xi32>, vector<16xi32>], vector<16xf32>,
        %gather3A_208 = tpu.vector_load_idx %arg7[%broadcast_in_dim3A_130, %get3A_177] : memref<8x4096xf32, #tpu.memory_space<vmem>>[vector<16xi32>, vector<16xi32>], vector<16xf32>,
        %add3A_209 = arith.constant 0 : i32
        %add3A_210 = arith.addi %mul3A_162, %add3A_209 : i32
        %swap3A = arith.constant 0 : i32
        %swap3A_211 = arith.index_cast %swap3A : i32 to index
        %swap3A_212 = arith.index_cast %add3A_210 : i32 to index
        %swap3A_213 = tpu.vector_load %arg8[%swap3A_211, %swap3A_212] {strides = array<i32>} : memref<4x4096xf32, #tpu.memory_space<vmem>>, vector<16xf32>,
        tpu.vector_store %arg8[%swap3A_211, %swap3A_212], %gather3A {strides = array<i32>} : memref<4x4096xf32, #tpu.memory_space<vmem>>, vector<16xf32>,
        %add3A_214 = arith.constant 16 : i32
        %add3A_215 = arith.addi %mul3A_162, %add3A_214 : i32
        %swap3A_216 = arith.constant 0 : i32
        %swap3A_217 = arith.index_cast %swap3A_216 : i32 to index
        %swap3A_218 = arith.index_cast %add3A_215 : i32 to index
        %swap3A_219 = tpu.vector_load %arg8[%swap3A_217, %swap3A_218] {strides = array<i32>} : memref<4x4096xf32, #tpu.memory_space<vmem>>, vector<16xf32>,
        tpu.vector_store %arg8[%swap3A_217, %swap3A_218], %gather3A_178 {strides = array<i32>} : memref<4x4096xf32, #tpu.memory_space<vmem>>, vector<16xf32>,
        %add3A_220 = arith.constant 32 : i32
        %add3A_221 = arith.addi %mul3A_162, %add3A_220 : i32
        %swap3A_222 = arith.constant 0 : i32
        %swap3A_223 = arith.index_cast %swap3A_222 : i32 to index
        %swap3A_224 = arith.index_cast %add3A_221 : i32 to index
        %swap3A_225 = tpu.vector_load %arg8[%swap3A_223, %swap3A_224] {strides = array<i32>} : memref<4x4096xf32, #tpu.memory_space<vmem>>, vector<16xf32>,
        tpu.vector_store %arg8[%swap3A_223, %swap3A_224], %gather3A_179 {strides = array<i32>} : memref<4x4096xf32, #tpu.memory_space<vmem>>, vector<16xf32>,
        %add3A_226 = arith.constant 48 : i32
        %add3A_227 = arith.addi %mul3A_162, %add3A_226 : i32
        %swap3A_228 = arith.constant 0 : i32
        %swap3A_229 = arith.index_cast %swap3A_228 : i32 to index
        %swap3A_230 = arith.index_cast %add3A_227 : i32 to index
        %swap3A_231 = tpu.vector_load %arg8[%swap3A_229, %swap3A_230] {strides = array<i32>} : memref<4x4096xf32, #tpu.memory_space<vmem>>, vector<16xf32>,
        tpu.vector_store %arg8[%swap3A_229, %swap3A_230], %gather3A_180 {strides = array<i32>} : memref<4x4096xf32, #tpu.memory_space<vmem>>, vector<16xf32>,
        %add3A_232 = arith.constant 0 : i32
        %add3A_233 = arith.addi %mul3A_162, %add3A_232 : i32
        %swap3A_234 = arith.constant 1 : i32
        %swap3A_235 = arith.index_cast %swap3A_234 : i32 to index
        %swap3A_236 = arith.index_cast %add3A_233 : i32 to index
        %swap3A_237 = tpu.vector_load %arg8[%swap3A_235, %swap3A_236] {strides = array<i32>} : memref<4x4096xf32, #tpu.memory_space<vmem>>, vector<16xf32>,
        tpu.vector_store %arg8[%swap3A_235, %swap3A_236], %gather3A_181 {strides = array<i32>} : memref<4x4096xf32, #tpu.memory_space<vmem>>, vector<16xf32>,
        %add3A_238 = arith.constant 16 : i32
        %add3A_239 = arith.addi %mul3A_162, %add3A_238 : i32
        %swap3A_240 = arith.constant 1 : i32
        %swap3A_241 = arith.index_cast %swap3A_240 : i32 to index
        %swap3A_242 = arith.index_cast %add3A_239 : i32 to index
        %swap3A_243 = tpu.vector_load %arg8[%swap3A_241, %swap3A_242] {strides = array<i32>} : memref<4x4096xf32, #tpu.memory_space<vmem>>, vector<16xf32>,
        tpu.vector_store %arg8[%swap3A_241, %swap3A_242], %gather3A_182 {strides = array<i32>} : memref<4x4096xf32, #tpu.memory_space<vmem>>, vector<16xf32>,
        %add3A_244 = arith.constant 32 : i32
        %add3A_245 = arith.addi %mul3A_162, %add3A_244 : i32
        %swap3A_246 = arith.constant 1 : i32
        %swap3A_247 = arith.index_cast %swap3A_246 : i32 to index
        %swap3A_248 = arith.index_cast %add3A_245 : i32 to index
        %swap3A_249 = tpu.vector_load %arg8[%swap3A_247, %swap3A_248] {strides = array<i32>} : memref<4x4096xf32, #tpu.memory_space<vmem>>, vector<16xf32>,
        tpu.vector_store %arg8[%swap3A_247, %swap3A_248], %gather3A_183 {strides = array<i32>} : memref<4x4096xf32, #tpu.memory_space<vmem>>, vector<16xf32>,
        %add3A_250 = arith.constant 48 : i32
        %add3A_251 = arith.addi %mul3A_162, %add3A_250 : i32
        %swap3A_252 = arith.constant 1 : i32
        %swap3A_253 = arith.index_cast %swap3A_252 : i32 to index
        %swap3A_254 = arith.index_cast %add3A_251 : i32 to index
        %swap3A_255 = tpu.vector_load %arg8[%swap3A_253, %swap3A_254] {strides = array<i32>} : memref<4x4096xf32, #tpu.memory_space<vmem>>, vector<16xf32>,
        tpu.vector_store %arg8[%swap3A_253, %swap3A_254], %gather3A_184 {strides = array<i32>} : memref<4x4096xf32, #tpu.memory_space<vmem>>, vector<16xf32>,
        %add3A_256 = arith.constant 0 : i32
        %add3A_257 = arith.addi %mul3A_162, %add3A_256 : i32
        %swap3A_258 = arith.constant 2 : i32
        %swap3A_259 = arith.index_cast %swap3A_258 : i32 to index
        %swap3A_260 = arith.index_cast %add3A_257 : i32 to index
        %swap3A_261 = tpu.vector_load %arg8[%swap3A_259, %swap3A_260] {strides = array<i32>} : memref<4x4096xf32, #tpu.memory_space<vmem>>, vector<16xf32>,
        tpu.vector_store %arg8[%swap3A_259, %swap3A_260], %gather3A_185 {strides = array<i32>} : memref<4x4096xf32, #tpu.memory_space<vmem>>, vector<16xf32>,
        %add3A_262 = arith.constant 16 : i32
        %add3A_263 = arith.addi %mul3A_162, %add3A_262 : i32
        %swap3A_264 = arith.constant 2 : i32
        %swap3A_265 = arith.index_cast %swap3A_264 : i32 to index
        %swap3A_266 = arith.index_cast %add3A_263 : i32 to index
        %swap3A_267 = tpu.vector_load %arg8[%swap3A_265, %swap3A_266] {strides = array<i32>} : memref<4x4096xf32, #tpu.memory_space<vmem>>, vector<16xf32>,
        tpu.vector_store %arg8[%swap3A_265, %swap3A_266], %gather3A_186 {strides = array<i32>} : memref<4x4096xf32, #tpu.memory_space<vmem>>, vector<16xf32>,
        %add3A_268 = arith.constant 32 : i32
        %add3A_269 = arith.addi %mul3A_162, %add3A_268 : i32
        %swap3A_270 = arith.constant 2 : i32
        %swap3A_271 = arith.index_cast %swap3A_270 : i32 to index
        %swap3A_272 = arith.index_cast %add3A_269 : i32 to index
        %swap3A_273 = tpu.vector_load %arg8[%swap3A_271, %swap3A_272] {strides = array<i32>} : memref<4x4096xf32, #tpu.memory_space<vmem>>, vector<16xf32>,
        tpu.vector_store %arg8[%swap3A_271, %swap3A_272], %gather3A_187 {strides = array<i32>} : memref<4x4096xf32, #tpu.memory_space<vmem>>, vector<16xf32>,
        %add3A_274 = arith.constant 48 : i32
        %add3A_275 = arith.addi %mul3A_162, %add3A_274 : i32
        %swap3A_276 = arith.constant 2 : i32
        %swap3A_277 = arith.index_cast %swap3A_276 : i32 to index
        %swap3A_278 = arith.index_cast %add3A_275 : i32 to index
        %swap3A_279 = tpu.vector_load %arg8[%swap3A_277, %swap3A_278] {strides = array<i32>} : memref<4x4096xf32, #tpu.memory_space<vmem>>, vector<16xf32>,
        tpu.vector_store %arg8[%swap3A_277, %swap3A_278], %gather3A_188 {strides = array<i32>} : memref<4x4096xf32, #tpu.memory_space<vmem>>, vector<16xf32>,
        %add3A_280 = arith.constant 0 : i32
        %add3A_281 = arith.addi %mul3A_162, %add3A_280 : i32
        %swap3A_282 = arith.constant 3 : i32
        %swap3A_283 = arith.index_cast %swap3A_282 : i32 to index
        %swap3A_284 = arith.index_cast %add3A_281 : i32 to index
        %swap3A_285 = tpu.vector_load %arg8[%swap3A_283, %swap3A_284] {strides = array<i32>} : memref<4x4096xf32, #tpu.memory_space<vmem>>, vector<16xf32>,
        tpu.vector_store %arg8[%swap3A_283, %swap3A_284], %gather3A_189 {strides = array<i32>} : memref<4x4096xf32, #tpu.memory_space<vmem>>, vector<16xf32>,
        %add3A_286 = arith.constant 16 : i32
        %add3A_287 = arith.addi %mul3A_162, %add3A_286 : i32
        %swap3A_288 = arith.constant 3 : i32
        %swap3A_289 = arith.index_cast %swap3A_288 : i32 to index
        %swap3A_290 = arith.index_cast %add3A_287 : i32 to index
        %swap3A_291 = tpu.vector_load %arg8[%swap3A_289, %swap3A_290] {strides = array<i32>} : memref<4x4096xf32, #tpu.memory_space<vmem>>, vector<16xf32>,
        tpu.vector_store %arg8[%swap3A_289, %swap3A_290], %gather3A_190 {strides = array<i32>} : memref<4x4096xf32, #tpu.memory_space<vmem>>, vector<16xf32>,
        %add3A_292 = arith.constant 32 : i32
        %add3A_293 = arith.addi %mul3A_162, %add3A_292 : i32
        %swap3A_294 = arith.constant 3 : i32
        %swap3A_295 = arith.index_cast %swap3A_294 : i32 to index
        %swap3A_296 = arith.index_cast %add3A_293 : i32 to index
        %swap3A_297 = tpu.vector_load %arg8[%swap3A_295, %swap3A_296] {strides = array<i32>} : memref<4x4096xf32, #tpu.memory_space<vmem>>, vector<16xf32>,
        tpu.vector_store %arg8[%swap3A_295, %swap3A_296], %gather3A_191 {strides = array<i32>} : memref<4x4096xf32, #tpu.memory_space<vmem>>, vector<16xf32>,
        %add3A_298 = arith.constant 48 : i32
        %add3A_299 = arith.addi %mul3A_162, %add3A_298 : i32
        %swap3A_300 = arith.constant 3 : i32
        %swap3A_301 = arith.index_cast %swap3A_300 : i32 to index
        %swap3A_302 = arith.index_cast %add3A_299 : i32 to index
        %swap3A_303 = tpu.vector_load %arg8[%swap3A_301, %swap3A_302] {strides = array<i32>} : memref<4x4096xf32, #tpu.memory_space<vmem>>, vector<16xf32>,
        tpu.vector_store %arg8[%swap3A_301, %swap3A_302], %gather3A_192 {strides = array<i32>} : memref<4x4096xf32, #tpu.memory_space<vmem>>, vector<16xf32>,
        %add3A_304 = arith.constant 0 : i32
        %add3A_305 = arith.addi %mul3A_162, %add3A_304 : i32
        %swap3A_306 = arith.constant 0 : i32
        %swap3A_307 = arith.index_cast %swap3A_306 : i32 to index
        %swap3A_308 = arith.index_cast %add3A_305 : i32 to index
        %swap3A_309 = tpu.vector_load %arg9[%swap3A_307, %swap3A_308] {strides = array<i32>} : memref<4x4096xf32, #tpu.memory_space<vmem>>, vector<16xf32>,
        tpu.vector_store %arg9[%swap3A_307, %swap3A_308], %gather3A_193 {strides = array<i32>} : memref<4x4096xf32, #tpu.memory_space<vmem>>, vector<16xf32>,
        %add3A_310 = arith.constant 16 : i32
        %add3A_311 = arith.addi %mul3A_162, %add3A_310 : i32
        %swap3A_312 = arith.constant 0 : i32
        %swap3A_313 = arith.index_cast %swap3A_312 : i32 to index
        %swap3A_314 = arith.index_cast %add3A_311 : i32 to index
        %swap3A_315 = tpu.vector_load %arg9[%swap3A_313, %swap3A_314] {strides = array<i32>} : memref<4x4096xf32, #tpu.memory_space<vmem>>, vector<16xf32>,
        tpu.vector_store %arg9[%swap3A_313, %swap3A_314], %gather3A_194 {strides = array<i32>} : memref<4x4096xf32, #tpu.memory_space<vmem>>, vector<16xf32>,
        %add3A_316 = arith.constant 32 : i32
        %add3A_317 = arith.addi %mul3A_162, %add3A_316 : i32
        %swap3A_318 = arith.constant 0 : i32
        %swap3A_319 = arith.index_cast %swap3A_318 : i32 to index
        %swap3A_320 = arith.index_cast %add3A_317 : i32 to index
        %swap3A_321 = tpu.vector_load %arg9[%swap3A_319, %swap3A_320] {strides = array<i32>} : memref<4x4096xf32, #tpu.memory_space<vmem>>, vector<16xf32>,
        tpu.vector_store %arg9[%swap3A_319, %swap3A_320], %gather3A_195 {strides = array<i32>} : memref<4x4096xf32, #tpu.memory_space<vmem>>, vector<16xf32>,
        %add3A_322 = arith.constant 48 : i32
        %add3A_323 = arith.addi %mul3A_162, %add3A_322 : i32
        %swap3A_324 = arith.constant 0 : i32
        %swap3A_325 = arith.index_cast %swap3A_324 : i32 to index
        %swap3A_326 = arith.index_cast %add3A_323 : i32 to index
        %swap3A_327 = tpu.vector_load %arg9[%swap3A_325, %swap3A_326] {strides = array<i32>} : memref<4x4096xf32, #tpu.memory_space<vmem>>, vector<16xf32>,
        tpu.vector_store %arg9[%swap3A_325, %swap3A_326], %gather3A_196 {strides = array<i32>} : memref<4x4096xf32, #tpu.memory_space<vmem>>, vector<16xf32>,
        %add3A_328 = arith.constant 0 : i32
        %add3A_329 = arith.addi %mul3A_162, %add3A_328 : i32
        %swap3A_330 = arith.constant 1 : i32
        %swap3A_331 = arith.index_cast %swap3A_330 : i32 to index
        %swap3A_332 = arith.index_cast %add3A_329 : i32 to index
        %swap3A_333 = tpu.vector_load %arg9[%swap3A_331, %swap3A_332] {strides = array<i32>} : memref<4x4096xf32, #tpu.memory_space<vmem>>, vector<16xf32>,
        tpu.vector_store %arg9[%swap3A_331, %swap3A_332], %gather3A_197 {strides = array<i32>} : memref<4x4096xf32, #tpu.memory_space<vmem>>, vector<16xf32>,
        %add3A_334 = arith.constant 16 : i32
        %add3A_335 = arith.addi %mul3A_162, %add3A_334 : i32
        %swap3A_336 = arith.constant 1 : i32
        %swap3A_337 = arith.index_cast %swap3A_336 : i32 to index
        %swap3A_338 = arith.index_cast %add3A_335 : i32 to index
        %swap3A_339 = tpu.vector_load %arg9[%swap3A_337, %swap3A_338] {strides = array<i32>} : memref<4x4096xf32, #tpu.memory_space<vmem>>, vector<16xf32>,
        tpu.vector_store %arg9[%swap3A_337, %swap3A_338], %gather3A_198 {strides = array<i32>} : memref<4x4096xf32, #tpu.memory_space<vmem>>, vector<16xf32>,
        %add3A_340 = arith.constant 32 : i32
        %add3A_341 = arith.addi %mul3A_162, %add3A_340 : i32
        %swap3A_342 = arith.constant 1 : i32
        %swap3A_343 = arith.index_cast %swap3A_342 : i32 to index
        %swap3A_344 = arith.index_cast %add3A_341 : i32 to index
        %swap3A_345 = tpu.vector_load %arg9[%swap3A_343, %swap3A_344] {strides = array<i32>} : memref<4x4096xf32, #tpu.memory_space<vmem>>, vector<16xf32>,
        tpu.vector_store %arg9[%swap3A_343, %swap3A_344], %gather3A_199 {strides = array<i32>} : memref<4x4096xf32, #tpu.memory_space<vmem>>, vector<16xf32>,
        %add3A_346 = arith.constant 48 : i32
        %add3A_347 = arith.addi %mul3A_162, %add3A_346 : i32
        %swap3A_348 = arith.constant 1 : i32
        %swap3A_349 = arith.index_cast %swap3A_348 : i32 to index
        %swap3A_350 = arith.index_cast %add3A_347 : i32 to index
        %swap3A_351 = tpu.vector_load %arg9[%swap3A_349, %swap3A_350] {strides = array<i32>} : memref<4x4096xf32, #tpu.memory_space<vmem>>, vector<16xf32>,
        tpu.vector_store %arg9[%swap3A_349, %swap3A_350], %gather3A_200 {strides = array<i32>} : memref<4x4096xf32, #tpu.memory_space<vmem>>, vector<16xf32>,
        %add3A_352 = arith.constant 0 : i32
        %add3A_353 = arith.addi %mul3A_162, %add3A_352 : i32
        %swap3A_354 = arith.constant 2 : i32
        %swap3A_355 = arith.index_cast %swap3A_354 : i32 to index
        %swap3A_356 = arith.index_cast %add3A_353 : i32 to index
        %swap3A_357 = tpu.vector_load %arg9[%swap3A_355, %swap3A_356] {strides = array<i32>} : memref<4x4096xf32, #tpu.memory_space<vmem>>, vector<16xf32>,
        tpu.vector_store %arg9[%swap3A_355, %swap3A_356], %gather3A_201 {strides = array<i32>} : memref<4x4096xf32, #tpu.memory_space<vmem>>, vector<16xf32>,
        %add3A_358 = arith.constant 16 : i32
        %add3A_359 = arith.addi %mul3A_162, %add3A_358 : i32
        %swap3A_360 = arith.constant 2 : i32
        %swap3A_361 = arith.index_cast %swap3A_360 : i32 to index
        %swap3A_362 = arith.index_cast %add3A_359 : i32 to index
        %swap3A_363 = tpu.vector_load %arg9[%swap3A_361, %swap3A_362] {strides = array<i32>} : memref<4x4096xf32, #tpu.memory_space<vmem>>, vector<16xf32>,
        tpu.vector_store %arg9[%swap3A_361, %swap3A_362], %gather3A_202 {strides = array<i32>} : memref<4x4096xf32, #tpu.memory_space<vmem>>, vector<16xf32>,
        %add3A_364 = arith.constant 32 : i32
        %add3A_365 = arith.addi %mul3A_162, %add3A_364 : i32
        %swap3A_366 = arith.constant 2 : i32
        %swap3A_367 = arith.index_cast %swap3A_366 : i32 to index
        %swap3A_368 = arith.index_cast %add3A_365 : i32 to index
        %swap3A_369 = tpu.vector_load %arg9[%swap3A_367, %swap3A_368] {strides = array<i32>} : memref<4x4096xf32, #tpu.memory_space<vmem>>, vector<16xf32>,
        tpu.vector_store %arg9[%swap3A_367, %swap3A_368], %gather3A_203 {strides = array<i32>} : memref<4x4096xf32, #tpu.memory_space<vmem>>, vector<16xf32>,
        %add3A_370 = arith.constant 48 : i32
        %add3A_371 = arith.addi %mul3A_162, %add3A_370 : i32
        %swap3A_372 = arith.constant 2 : i32
        %swap3A_373 = arith.index_cast %swap3A_372 : i32 to index
        %swap3A_374 = arith.index_cast %add3A_371 : i32 to index
        %swap3A_375 = tpu.vector_load %arg9[%swap3A_373, %swap3A_374] {strides = array<i32>} : memref<4x4096xf32, #tpu.memory_space<vmem>>, vector<16xf32>,
        tpu.vector_store %arg9[%swap3A_373, %swap3A_374], %gather3A_204 {strides = array<i32>} : memref<4x4096xf32, #tpu.memory_space<vmem>>, vector<16xf32>,
        %add3A_376 = arith.constant 0 : i32
        %add3A_377 = arith.addi %mul3A_162, %add3A_376 : i32
        %swap3A_378 = arith.constant 3 : i32
        %swap3A_379 = arith.index_cast %swap3A_378 : i32 to index
        %swap3A_380 = arith.index_cast %add3A_377 : i32 to index
        %swap3A_381 = tpu.vector_load %arg9[%swap3A_379, %swap3A_380] {strides = array<i32>} : memref<4x4096xf32, #tpu.memory_space<vmem>>, vector<16xf32>,
        tpu.vector_store %arg9[%swap3A_379, %swap3A_380], %gather3A_205 {strides = array<i32>} : memref<4x4096xf32, #tpu.memory_space<vmem>>, vector<16xf32>,
        %add3A_382 = arith.constant 16 : i32
        %add3A_383 = arith.addi %mul3A_162, %add3A_382 : i32
        %swap3A_384 = arith.constant 3 : i32
        %swap3A_385 = arith.index_cast %swap3A_384 : i32 to index
        %swap3A_386 = arith.index_cast %add3A_383 : i32 to index
        %swap3A_387 = tpu.vector_load %arg9[%swap3A_385, %swap3A_386] {strides = array<i32>} : memref<4x4096xf32, #tpu.memory_space<vmem>>, vector<16xf32>,
        tpu.vector_store %arg9[%swap3A_385, %swap3A_386], %gather3A_206 {strides = array<i32>} : memref<4x4096xf32, #tpu.memory_space<vmem>>, vector<16xf32>,
        %add3A_388 = arith.constant 32 : i32
        %add3A_389 = arith.addi %mul3A_162, %add3A_388 : i32
        %swap3A_390 = arith.constant 3 : i32
        %swap3A_391 = arith.index_cast %swap3A_390 : i32 to index
        %swap3A_392 = arith.index_cast %add3A_389 : i32 to index
        %swap3A_393 = tpu.vector_load %arg9[%swap3A_391, %swap3A_392] {strides = array<i32>} : memref<4x4096xf32, #tpu.memory_space<vmem>>, vector<16xf32>,
        tpu.vector_store %arg9[%swap3A_391, %swap3A_392], %gather3A_207 {strides = array<i32>} : memref<4x4096xf32, #tpu.memory_space<vmem>>, vector<16xf32>,
        %add3A_394 = arith.constant 48 : i32
        %add3A_395 = arith.addi %mul3A_162, %add3A_394 : i32
        %swap3A_396 = arith.constant 3 : i32
        %swap3A_397 = arith.index_cast %swap3A_396 : i32 to index
        %swap3A_398 = arith.index_cast %add3A_395 : i32 to index
        %swap3A_399 = tpu.vector_load %arg9[%swap3A_397, %swap3A_398] {strides = array<i32>} : memref<4x4096xf32, #tpu.memory_space<vmem>>, vector<16xf32>,
        tpu.vector_store %arg9[%swap3A_397, %swap3A_398], %gather3A_208 {strides = array<i32>} : memref<4x4096xf32, #tpu.memory_space<vmem>>, vector<16xf32>,
      }
      %scan3A_135 = arith.constant 64 : i32
      %add3A_136 = arith.constant 1 : i32
      %add3A_137 = arith.addi %add3A_29, %add3A_136 : i32
      %mul3A_138 = arith.constant 8 : i32
      %mul3A_139 = arith.muli %add3A_137, %mul3A_138 : i32
      %add3A_140 = arith.addi %mul3A_2, %mul3A_139 : i32
      %dma_start3A_141 = arith.constant 0 : i32
      %dma_start3A_142 = tpu.memref_slice %arg4[%add3A_140, %dma_start3A_141] : memref<8192x4096xf32, #tpu.memory_space<hbm>> -> memref<4x4096xf32, #tpu.memory_space<hbm>>
      %dma_start3A_143 = arith.constant 0 : i32
      %dma_start3A_144 = tpu.memref_slice %arg4[%add3A_140, %dma_start3A_143] : memref<8192x4096xf32, #tpu.memory_space<hbm>> -> memref<4x4096xf32, #tpu.memory_space<hbm>>
      tpu.enqueue_dma source(%arg8 : memref<4x4096xf32, #tpu.memory_space<vmem>>) target(%dma_start3A_144 : memref<4x4096xf32, #tpu.memory_space<hbm>>) target_semaphore(%arg12 : memref<!tpu.dma_semaphore, #tpu.memory_space<semaphore_mem>>)
      %add3A_145 = arith.constant 1 : i32
      %add3A_146 = arith.addi %add3A_29, %add3A_145 : i32
      %mul3A_147 = arith.constant 8 : i32
      %mul3A_148 = arith.muli %add3A_146, %mul3A_147 : i32
      %add3A_149 = arith.addi %mul3A_2, %mul3A_148 : i32
      %add3A_150 = arith.constant 4 : i32
      %add3A_151 = arith.addi %add3A_149, %add3A_150 : i32
      %dma_start3A_152 = arith.constant 0 : i32
      %dma_start3A_153 = tpu.memref_slice %arg4[%add3A_151, %dma_start3A_152] : memref<8192x4096xf32, #tpu.memory_space<hbm>> -> memref<4x4096xf32, #tpu.memory_space<hbm>>
      %dma_start3A_154 = arith.constant 0 : i32
      %dma_start3A_155 = tpu.memref_slice %arg4[%add3A_151, %dma_start3A_154] : memref<8192x4096xf32, #tpu.memory_space<hbm>> -> memref<4x4096xf32, #tpu.memory_space<hbm>>
      tpu.enqueue_dma source(%arg9 : memref<4x4096xf32, #tpu.memory_space<vmem>>) target(%dma_start3A_155 : memref<4x4096xf32, #tpu.memory_space<hbm>>) target_semaphore(%arg13 : memref<!tpu.dma_semaphore, #tpu.memory_space<semaphore_mem>>)
    }
    %scan3A_11 = arith.constant 16 : i32
    %add3A_12 = arith.constant 248 : i32
    %add3A_13 = arith.addi %mul3A_2, %add3A_12 : i32
    %dma_wait3A = arith.constant 0 : i32
    %dma_wait3A_14 = tpu.memref_slice %arg4[%add3A_13, %dma_wait3A] : memref<8192x4096xf32, #tpu.memory_space<hbm>> -> memref<4x4096xf32, #tpu.memory_space<hbm>>
    %dma_wait3A_15 = arith.constant 0 : i32
    %dma_wait3A_16 = tpu.memref_slice %arg4[%add3A_13, %dma_wait3A_15] : memref<8192x4096xf32, #tpu.memory_space<hbm>> -> memref<4x4096xf32, #tpu.memory_space<hbm>>
    tpu.wait_dma2 semaphore(%arg12 : memref<!tpu.dma_semaphore, #tpu.memory_space<semaphore_mem>>) src(%arg8 : memref<4x4096xf32, #tpu.memory_space<vmem>>) dst(%dma_wait3A_16 : memref<4x4096xf32, #tpu.memory_space<hbm>>)
    %add3A_17 = arith.constant 248 : i32
    %add3A_18 = arith.addi %mul3A_2, %add3A_17 : i32
    %add3A_19 = arith.constant 4 : i32
    %add3A_20 = arith.addi %add3A_18, %add3A_19 : i32
    %dma_wait3A_21 = arith.constant 0 : i32
    %dma_wait3A_22 = tpu.memref_slice %arg4[%add3A_20, %dma_wait3A_21] : memref<8192x4096xf32, #tpu.memory_space<hbm>> -> memref<4x4096xf32, #tpu.memory_space<hbm>>
    %dma_wait3A_23 = arith.constant 0 : i32
    %dma_wait3A_24 = tpu.memref_slice %arg4[%add3A_20, %dma_wait3A_23] : memref<8192x4096xf32, #tpu.memory_space<hbm>> -> memref<4x4096xf32, #tpu.memory_space<hbm>>
    tpu.wait_dma2 semaphore(%arg13 : memref<!tpu.dma_semaphore, #tpu.memory_space<semaphore_mem>>) src(%arg9 : memref<4x4096xf32, #tpu.memory_space<vmem>>) dst(%dma_wait3A_24 : memref<4x4096xf32, #tpu.memory_space<hbm>>)
    return
  }
}

</mosaic_0001>

<sc_bundles>
// kernel: kernel.3.cloned.1.call-start
scs
__scs_entry_jumppad:
0x0: {  	(pc) =	sbr.rel $0x88, $3  }
0x1: {  	(tag) =	ssettag $0x0;
	lr =	simm.s32 $0x1  }
0x2: {  	[smem:$0x3F9F] =	sst lr;
	_ =	strace $0xD0000000  }
0x3: {  	_ = 	snop  }
0x4: {  	_ = 	snop  }
0x5: {  	_ = 	snop  }
0x6: {  	_ = 	snop  }
0x7: {  	_ = 	snop  }
__scs_overlays_trampoline_lowered:
0x8: {  	[smem:$0x3FAE] =	sst s0  }
0x9: {  	[smem:$0x3FAF] =	sst s1  }
0xa: {  	[smem:$0x3FB0] =	sst s2  }
0xb: {  	[smem:$0x3FB1] =	sst s3  }
0xc: {  	[smem:$0x3FB2] =	sst s4  }
0xd: {  	[smem:$0x3FB3] =	sst s5  }
0xe: {  	[smem:$0x3FB4] =	sst s6  }
0xf: {  	[smem:$0x3FB5] =	sst s7  }
0x10: {  	[smem:$0x3FB6] =	sst s8  }
0x11: {  	[smem:$0x3FB7] =	sst s9;
	s0 =	simm.s32 @!p0 $0x0  }
0x12: {  	s1 =	sld [smem:$0x3F9D];
	s0 =	simm.s32 @p0 $0x1  }
0x13: {  	[smem:$0x3FB8] =	sst s0;
	s0 =	simm.s32 @!p1 $0x0  }
0x14: {  	s2 =	sld [smem:$0x3F9C];
	s0 =	simm.s32 @p1 $0x1  }
0x15: {  	[smem:$0x3FB9] =	sst s0;
	s0 =	simm.s32 @!p2 $0x0  }
0x16: {  	s3 =	sld [smem:$0x3FDB];
	s0 =	simm.s32 @p2 $0x1  }
0x17: {  	s4 =	simm.s32 $0x1BF5;
	[smem:$0x3FBB] =	sst s0  }
0x18: {  	s0 =	sld [smem:$0x3F9E];
	_ =	swait.ge [sflag:s4], $0x0  }
0x19: {  	s7 =	sld [smem:$0x3F9F]  }
0x1a: {  	s8 =	sadd.s32 $0xFFFFE003, lr  }
0x1b: {  	s9 =	sadd.s32 $0xFFFFFEF7, lr;
	s5 =	simm.s32 $0xFFFFFFFF;
	p2 =	slt.u32 s8, $0xFFFFF086  }
0x1c: {  	p1 =	slt.u32 s9, $0xF7A;
	s5 =	simm.s32 @!p2 $0x0  }
0x1d: {  	s5 =	simm.s32 @p1 $0x1;
	p0 =	seq.s32 s7, s2  }
0x1e: {  	s7 =	smul.u32 @!p0 $0xF7A, s2;
	p2 =	seq.s32 @!p0 s5, $0x0  }
0x1f: {  	s9 =	smul.u32 $0xF7A, s1;
	s8 =	simm.s32 @!p0 $0x1BF5;
	p2 =	por !p2, p0  }
0x20: {  	[sflag:s8] =	ssyncset.s32 @!p0 $0xFFFFF086;
	s6 =	sadd.s32 @!p0 s3, s7;
	s7 =	simm.s32 @!p0 $0x108  }
0x21: {  	s3 =	sadd.s32 s3, s9;
	s6 =	sadd.s32 @!p0 $0x88, s6;
	s7 =	simm.s32 @p2 $0x1082  }
0x22: {  	[simem:s7], [sflag:s8] =	dma.local @!p0 [hbm:s6], $0xF7A  }
0x23: {  	s9 =	sor.u32 $0xD0000000, s2;
	s6 =	simm.s32 $0x108;
	_ =	swait.ge @!p0 [sflag:s8], $0x0  }
0x24: {  	s3 =	sadd.s32 $0x88, s3;
	s6 =	simm.s32 @!p1 $0x1082;
	[sflag:s4] =	ssyncset.s32 $0xFFFFF086  }
0x25: {  	[simem:s6], [sflag:s4] =	dma.local [hbm:s3], $0xF7A  }
0x26: {  	[smem:$0x3F9F] =	sst s1;
	(tag) =	ssettag s2;
	_ =	strace s9  }
0x27: {  	s1 =	sld [smem:$0x3FAF]  }
0x28: {  	s2 =	sld [smem:$0x3FB0]  }
0x29: {  	s4 =	sld [smem:$0x3FB2]  }
0x2a: {  	p0 =	seq.s32 s5, $0x0;
	s5 =	sld [smem:$0x3FB3]  }
0x2b: {  	s6 =	sld [smem:$0x3FB4]  }
0x2c: {  	s7 =	sld [smem:$0x3FB5]  }
0x2d: {  	s3 =	simm.s32 $0x108;
	s8 =	sld [smem:$0x3FB6]  }
0x2e: {  	s3 =	simm.s32 @!p0 $0x1082;
	s9 =	sld [smem:$0x3FB7]  }
0x2f: {  	lr =	sadd.s32 s0, s3;
	s0 =	sld [smem:$0x3FAE]  }
0x30: {  	s3 =	sld [smem:$0x3FB1]  }
0x31: {  	[smem:$0x3FBA] =	sst s10  }
0x32: {  	s10 =	sld [smem:$0x3FB8];
	_ =	sdelay $0x3  }
0x33: {  	p0 =	seq.s32 s10, $0x1;
	s10 =	sld [smem:$0x3FBA];
	_ =	sdelay $0x3  }
0x34: {  	[smem:$0x3FBA] =	sst s10  }
0x35: {  	s10 =	sld [smem:$0x3FB9];
	_ =	sdelay $0x3  }
0x36: {  	p1 =	seq.s32 s10, $0x1;
	s10 =	sld [smem:$0x3FBA];
	_ =	sdelay $0x3  }
0x37: {  	[smem:$0x3FBA] =	sst s10  }
0x38: {  	s10 =	sld [smem:$0x3FBB]  }
0x39: {  	_ = 	snop;
	(pc) =	sbr.ind lr, $3  }
0x3a: {  	_ = 	snop  }
0x3b: {  	_ = 	snop  }
0x3c: {  	p2 =	seq.s32 s10, $0x1;
	s10 =	sld [smem:$0x3FBA]  }
0x3d: {  	_ =	shalt  }
0x3e: {  	_ =	shalt  }
0x3f: {  	_ =	shalt  }
0x40: {  	_ =	shalt  }
0x41: {  	_ =	shalt  }
0x42: {  	_ =	shalt  }
0x43: {  	_ =	shalt  }
0x44: {  	_ =	shalt  }
0x45: {  	_ =	shalt  }
0x46: {  	_ =	shalt  }
0x47: {  	_ =	shalt  }
0x48: {  	_ =	shalt  }
0x49: {  	_ =	shalt  }
0x4a: {  	_ =	shalt  }
0x4b: {  	_ =	shalt  }
0x4c: {  	_ =	shalt  }
0x4d: {  	_ =	shalt  }
0x4e: {  	_ =	shalt  }
0x4f: {  	_ =	shalt  }
0x50: {  	_ =	shalt  }
0x51: {  	_ =	shalt  }
0x52: {  	_ =	shalt  }
0x53: {  	_ =	shalt  }
0x54: {  	_ =	shalt  }
0x55: {  	_ =	shalt  }
0x56: {  	_ =	shalt  }
0x57: {  	_ =	shalt  }
0x58: {  	_ =	shalt  }
0x59: {  	_ =	shalt  }
0x5a: {  	_ =	shalt  }
0x5b: {  	_ =	shalt  }
0x5c: {  	_ =	shalt  }
0x5d: {  	_ =	shalt  }
0x5e: {  	_ =	shalt  }
0x5f: {  	_ =	shalt  }
0x60: {  	_ =	shalt  }
0x61: {  	_ =	shalt  }
0x62: {  	_ =	shalt  }
0x63: {  	_ =	shalt  }
0x64: {  	_ =	shalt  }
0x65: {  	_ =	shalt  }
0x66: {  	_ =	shalt  }
0x67: {  	_ =	shalt  }
0x68: {  	_ =	shalt  }
0x69: {  	_ =	shalt  }
0x6a: {  	_ =	shalt  }
0x6b: {  	_ =	shalt  }
0x6c: {  	_ =	shalt  }
0x6d: {  	_ =	shalt  }
0x6e: {  	_ =	shalt  }
0x6f: {  	_ =	shalt  }
0x70: {  	_ =	shalt  }
0x71: {  	_ =	shalt  }
0x72: {  	_ =	shalt  }
0x73: {  	_ =	shalt  }
0x74: {  	_ =	shalt  }
0x75: {  	_ =	shalt  }
0x76: {  	_ =	shalt  }
0x77: {  	_ =	shalt  }
0x78: {  	_ =	shalt  }
0x79: {  	_ =	shalt  }
0x7a: {  	_ =	shalt  }
0x7b: {  	_ =	shalt  }
0x7c: {  	_ =	shalt  }
0x7d: {  	_ =	shalt  }
0x7e: {  	_ =	shalt  }
0x7f: {  	_ =	shalt  }
0x80: {  	_ =	shalt  }
0x81: {  	_ =	shalt  }
0x82: {  	_ =	shalt  }
0x83: {  	_ =	shalt  }
0x84: {  	_ =	shalt  }
0x85: {  	_ =	shalt  }
0x86: {  	_ =	shalt  }
0x87: {  	_ =	shalt  }
.Lfunc_end0:
.L_simem_size_0:
called_computation_lowered:
.L_overlay_start_0:
0x88: {  	s2 =	sld [smem:$0x3FD9]  }
0x89: {  	s3 =	sld [smem:$0x3FFE];
	_ =	sdelay $0x1  }
0x8a: {  	s1 =	srdreg.scid  }
0x8b: {  	s0 =	sand.u32 $0x1, s1  }
0x8c: {  	s18 =	sshll.u32 s0, $0xA;
	s2 =	sadd.s32 s3, s2  }
0x8d: {  	s2 =	sadd.s32 s2, s18  }
0x8e: {  	[smem:$0x3FC6] =	sst s2  }
0x8f: {  	_ = 	snop  }
0x90: {  	s2 =	sld [smem:$0x3FC9]  }
0x91: {  	s19 =	sld [smem:$0x3FC8]  }
0x92: {  	s4 =	sld [smem:$0x3FD0];
	(tm) =	ssettm $0x1  }
0x93: {  	s5 =	sld [smem:$0x3FFB];
	_ =	sdelay $0x3  }
0x94: {  	_ =	strace s5  }
0x95: {  	s5 =	sld [smem:$0x3FFC];
	_ =	sdelay $0x3  }
0x96: {  	_ =	strace s5  }
0x97: {  	s5 =	sld [smem:$0x3FFD];
	_ =	sdelay $0x3  }
0x98: {  	_ =	strace s5  }
0x99: {  	_ =	strace $0x8FFFFFFF  }
0x9a: {  	s20 =	sld [smem:$0x3FDB];
	_ =	sdelay $0x1  }
0x9b: {  	s6 =	simm.s32 $_scs_section_size  }
0x9c: {  	s7 =	simm.s32 $_size__tile_overlayer_lowered;
	s8 =	simm.s32 $_tile_overlayer_lowered  }
0x9d: {  	s23 =	simm.s32 $0x1BFF;
	s22 =	sshll.u32 s8, $0x1;
	s5 =	sadd.s32 s6, s20  }
0x9e: {  	s9 =	simm.s32 $0x0;
	s21 =	sshll.u32 s7, $0x1;
	s7 =	sadd.s32 s22, s5  }
0x9f: {  	[timem:s9], [sflag:s23] =	dma.local [hbm:s7], s21  }
0xa0: {  	_ =	swait.ge [sflag:s23], s21  }
0xa1: {  	s6 =	ssub.s32 $0x0, s21;
	[sflag:s23] =	ssyncset.done $0x0  }
0xa2: {  	[sflag:s23] =	ssyncadd.s32 s6;
	_ =	sdelay $0x1  }
0xa3: {  	s24 =	simm.s32 $0x1B8B  }
0xa4: {  	_ =	swait.ge [sflag:s24], $0x1  }
0xa5: {  	[sflag:s24] =	ssyncset.done $0x0  }
0xa6: {  	s25 =	simm.s32 $0x1B8E;
	[sflag:s24] =	ssyncadd.s32 $0xFFFFFFFF  }
0xa7: {  	s26 =	simm.s32 $execute0_lowered;
	[smem:$0x3FD2] =	sst s25  }
0xa8: {  	s6 =	sshll.u32 s26, $0x1;
	_ =	strace $0x80000046;
	[dreg:$0x1] =	wrdreg $0xFFFFFFFF  }
0xa9: {  	s28 =	simm.s32 $_size_execute0_lowered;
	s5 =	sadd.s32 s5, s6;
	[dreg:$0x0] =	wrdreg $0x0  }
0xaa: {  	s6 =	sshll.u32 s28, $0x1;
	[dreg:$0x2] =	wrdreg s5  }
0xab: {  	[dreg:$0x3] =	wrdreg s6  }
0xac: {  	[dreg:$0x4] =	wrdreg $0xC0  }
0xad: {  	_ =	task [dreg:s9], $0x5FFFF  }
0xae: {  	[dreg:$0x1] =	wrdreg $0xFFFFFFFF  }
0xaf: {  	[dreg:$0x0] =	wrdreg $0x60  }
0xb0: {  	[dreg:$0x2] =	wrdreg s2  }
0xb1: {  	[dreg:$0x3] =	wrdreg s19  }
0xb2: {  	[dreg:$0x4] =	wrdreg s4  }
0xb3: {  	[dreg:$0x5] =	wrdreg $0x9  }
0xb4: {  	_ =	task.clear_ibuf [dreg:s9], $0x6FFFF;
	_ =	strace $0x90000046  }
0xb5: {  	s29 =	simm.s32 $0x9;
	_ =	strace $0x80000048  }
0xb6: {  	_ =	swait.ge [sflag:s29], $0x1  }
0xb7: {  	[sflag:s29] =	ssyncadd.s32 $0xFFFFFFFF  }
0xb8: {  	_ =	strace $0x90000048  }
0xb9: {  	_ =	sfence  }
0xba: {  	s30 =	sld [smem:$0x0];
	_ =	sdelay $0x2  }
0xbb: {  	s31 =	sshll.u32 s1, $0xD;
	s1 =	sshrl.u32 s1, $0x2  }
0xbc: {  	s3 =	sand.u32 $0x4000, s31;
	s1 =	sadd.s32 s1, s30  }
0xbd: {  	s0 =	sor.u32 s3, s0;
	s1 =	sshll.u32 s1, $0x11  }
0xbe: {  	s0 =	sor.u32 s1, s0  }
0xbf: {  	s0 =	sadd.s32 $0x8F2B, s0  }
0xc0: {  	[sflag:s0] =	ssyncadd.remote.s32 $0x1  }
0xc1: {  	_ =	sfence.sel $0xFFFF  }
0xc2: {  	[dreg:$0x0] =	wrdreg $0xFFFFFFFF;
	(pc) =	sbr.abs _section_cstart, $3  }
0xc3: {  	[dreg:$0x1] =	wrdreg $0xFFFFFFFF  }
0xc4: {  	_ =	task.clear_ibuf [dreg:s9], $0x2FFFF;
	_ =	strace $0x9FFFFFFF  }
0xc5: {  	(tm) =	ssettm $0x7FFFFFFF  }
tec
execute0_lowered:
.L_overlay_start_1:
0x0: {  	(tag) =	ssettag $0x1  }
0x1: {  	s1 =	rddreg [dreg:$0x0]  }
0x2: {  	s10 =	rddreg [dreg:$0x2];
	s0 =	srdreg.scid  }
0x3: {  	s4 =	simm.s32 $0x0;
	s3 =	stileid.u32;
	s12 =	simm.s32 $0x1000  }
0x4: {  	s13 =	simm.s32 $0x9000;
	s14 =	simm.s32 $0x1;
	s15 =	simm.s32 $0x200  }
0x5: {  	s16 =	simm.s32 $0x400;
	s17 =	simm.s32 $0x11000;
	s18 =	simm.s32 $0x15000  }
0x6: {  	s19 =	simm.s32 $0x2;
	s0 =	sand.u32 $0x1, s0;
	s3 =	sshll.u32 s3, $0x12  }
0x7: {  	[smem:$0x7FF] =	sst s4;
	s2 =	ssub.s32 $0x2, s0;
	s0 =	sshll.u32 s0, $0x11  }
0x8: {  	_ =	strace $0x80000047;
	s7 =	sshrl.u32 s2, $0x1;
	s3 =	sor.u32 s0, s3  }
0x9: {  	s30 =	ssub.s32 s2, s7;
	[dreg:$0x4] =	wrdreg s3;
	s1 =	sadd.s32 s1, s3  }
0xa: {  	s20 =	simm.s32 $0x3;
	s0 =	smax.u32 s30, $0x1;
	[dreg:$0x5] =	wrdreg s1  }
0xb: {  	s21 =	simm.s32 $0x4;
	s31 =	sadd.s32 $0x2000, s1;
	[dreg:$0x6] =	wrdreg s0  }
0xc: {  	s8 =	sadd.s32 $0x40, s10;
	s1 =	simm.s32 $0x0;
	[dreg:$0x7] =	wrdreg s31  }
.LBB2_1:
0xd: {  	[dreg:$0x8] =	wrdreg s1  }
0xe: {  	s0 =	rddreg [dreg:$0x1];
	s29 =	simm.s32 $0x0;
	s30 =	simm.s32 $0x5  }
0xf: {  	[tilespmem:s29], [sflag:$0x5] =	stream.linear.gather [hbm4b:s0+s29], $0x1000, $0x38;
	[tilespmem:$0x19000] =	vst v63  }
0x10: {  	_ =	swait.ge [sflag:s30], $0x1000  }
0x11: {  	[sflag:s30] =	ssyncset.done $0x0  }
0x12: {  	s23 =	simm.s32 $0x0;
	s31 =	rddreg [dreg:$0x5];
	[sflag:s30] =	ssyncadd.s32 $0xFFFFF000  }
0x13: {  	[tilespmem:s12], [sflag:$0x1] =	stream.linear.gather [hbm4b:s31+s29], $0x8000, $0x38;
	[tilespmem:$0x19000] =	vst v63  }
.LBB2_2:
0x14: {  	s25 =	sshll.u32 s23, $0xD;
	s0 =	rddreg [dreg:$0x4]  }
0x15: {  	s26 =	sor.u32 s0, s25  }
0x16: {  	s5 =	rddreg [dreg:$0x0];
	s24 =	sor.u32 $0x1000, s26  }
0x17: {  	s1 =	simm.s32 $0x0;
	s0 =	sadd.s32 s5, s24  }
0x18: {  	[tilespmem:s13], [sflag:$0x2] =	stream.linear.gather [hbm4b:s0+s1], $0x8000, $0x38;
	[tilespmem:$0x19000] =	vst v63  }
0x19: {  	_ =	swait.ge [sflag:s14], $0x8000  }
0x1a: {  	p0 =	seq.s32 s23, $0x0;
	[sflag:s14] =	ssyncset.done $0x0  }
0x1b: {  	s0 =	simm.s32 @!p0 $0x3;
	[sflag:s14] =	ssyncadd.s32 $0xFFFF8000  }
0x1c: {  	_ =	swait.ge @!p0 [sflag:s0], $0x4000  }
0x1d: {  	[sflag:s0] =	ssyncset.done @!p0 $0x0  }
0x1e: {  	s28 =	simm.s32 $0x0;
	s3 =	simm.s32 @!p0 $0x4;
	[sflag:s0] =	ssyncadd.s32 @!p0 $0xFFFFC000  }
0x1f: {  	s6 =	sand.u32 $0x40, s28;
	_ =	swait.ge @!p0 [sflag:s3], $0x4000  }
0x20: {  	s9 =	sand.u32 $0xF80, s28;
	s2 =	sor.u32 $0x10, s6;
	[sflag:s3] =	ssyncset.done @!p0 $0x0  }
0x21: {  	s29 =	sor.u32 $0x20, s6;
	s7 =	sor.u32 s2, s9;
	[sflag:s3] =	ssyncadd.s32 @!p0 $0xFFFFC000  }
0x22: {  	s31 =	sor.u32 s29, s9;
	v0 =	vld [tilespmem:s7+$0x0]  }
0x23: {  	v1 =	vld [tilespmem:s31+$0x0]  }
0x24: {  	s30 =	sor.u32 $0x30, s6  }
0x25: {  	s9 =	sor.u32 s30, s9  }
0x26: {  	v2 =	vld [tilespmem:s9+$0x0]  }
0x27: {  	v3 =	vshll.u32 v0, $0x3  }
0x28: {  	v0 =	vand.u32 $0x7F, v0;
	v4 =	vshll.u32 v1, $0x3;
	v3 =	vand.u32 $0xFFFFFC00, v3  }
0x29: {  	v1 =	vand.u32 $0x7F, v1;
	v17 =	vor.u32 v0, v3;
	v0 =	vand.u32 $0xFFFFFC00, v4  }
0x2a: {  	v16 =	vor.u32 v1, v0  }
0x2b: {  	v3 =	vshll.u32 v2, $0x3;
	v22 =	vor.u32 $0x80, v17  }
0x2c: {  	s11 =	simm.s32 $0x0;
	v0 =	vand.u32 $0x7F, v2;
	v1 =	vand.u32 $0xFFFFFC00, v3;
	v2 =	vor.u32 $0x100, v16  }
0x2d: {  	v3 =	vld [tilespmem:s11+$0x0];
	v14 =	vor.u32 v0, v1;
	v0 =	vor.u32 $0x80, v16  }
0x2e: {  	v28 =	vld.idx.msk [tilespmem:v17+s12+$0x0], $0xffff  }
0x2f: {  	v1 =	vor.u32 $0x80, v14;
	v29 =	vld.idx.msk [tilespmem:v16+s12+$0x0], $0xffff  }
0x30: {  	v4 =	vor.u32 $0x100, v14;
	v26 =	vld.idx.msk [tilespmem:v22+s12+$0x0], $0xffff  }
0x31: {  	v5 =	vor.u32 $0x180, v17;
	v2 =	vld.idx.msk [tilespmem:v2+s12+$0x0], $0xffff  }
0x32: {  	v6 =	vor.u32 $0x280, v17;
	v10 =	vld.idx.msk [tilespmem:v0+s12+$0x0], $0xffff  }
0x33: {  	v7 =	vshll.u32 v3, $0x3;
	v0 =	vor.u32 $0x300, v17;
	v30 =	vld.idx.msk [tilespmem:v14+s12+$0x0], $0xffff  }
0x34: {  	v3 =	vand.u32 $0x7F, v3;
	v7 =	vand.u32 $0xFFFFFC00, v7;
	v12 =	vld.idx.msk [tilespmem:v1+s12+$0x0], $0xffff;
	v1 =	vor.u32 $0x180, v16  }
0x35: {  	v18 =	vor.u32 v3, v7;
	v8 =	vld.idx.msk [tilespmem:v4+s12+$0x0], $0xffff  }
0x36: {  	v3 =	vor.u32 $0x380, v17;
	v7 =	vld.idx.msk [tilespmem:v5+s12+$0x0], $0xffff  }
0x37: {  	v5 =	vor.u32 $0x300, v14;
	v4 =	vld.idx.msk [tilespmem:v6+s12+$0x0], $0xffff  }
0x38: {  	v6 =	vor.u32 $0x100, v17;
	v0 =	vld.idx.msk [tilespmem:v0+s12+$0x0], $0xffff  }
0x39: {  	v13 =	vor.u32 $0x300, v16;
	v11 =	vld.idx.msk [tilespmem:v1+s12+$0x0], $0xffff  }
0x3a: {  	v21 =	vor.u32 $0x200, v16;
	v31 =	vld.idx.msk [tilespmem:v18+s12+$0x0], $0xffff  }
0x3b: {  	v9 =	vor.u32 $0x180, v18;
	v1 =	vld.idx.msk [tilespmem:v3+s12+$0x0], $0xffff  }
0x3c: {  	v20 =	vor.u32 $0x100, v18;
	v3 =	vld.idx.msk [tilespmem:v5+s12+$0x0], $0xffff  }
0x3d: {  	v25 =	vor.u32 $0x280, v18;
	v19 =	vld.idx.msk [tilespmem:v6+s12+$0x0], $0xffff  }
0x3e: {  	v32 =	vor.u32 $0x200, v18;
	v6 =	vld.idx.msk [tilespmem:v13+s12+$0x0], $0xffff  }
0x3f: {  	v34 =	vor.u32 $0x380, v18;
	v13 =	vld.idx.msk [tilespmem:v21+s12+$0x0], $0xffff  }
0x40: {  	v5 =	vor.u32 $0x380, v14;
	v15 =	vld.idx.msk [tilespmem:v9+s12+$0x0], $0xffff  }
0x41: {  	v9 =	vor.u32 $0x80, v18;
	v23 =	vld.idx.msk [tilespmem:v20+s12+$0x0], $0xffff  }
0x42: {  	v24 =	vor.u32 $0x380, v16;
	v20 =	vor.u32 $0x300, v18;
	v18 =	vld.idx.msk [tilespmem:v25+s12+$0x0], $0xffff  }
0x43: {  	v22 =	vld.idx.msk [tilespmem:v32+s12+$0x0], $0xffff  }
0x44: {  	v21 =	vor.u32 $0x280, v14;
	v25 =	vor.u32 $0x200, v17;
	v17 =	vld.idx.msk [tilespmem:v34+s12+$0x0], $0xffff  }
0x45: {  	v33 =	vor.u32 $0x200, v14;
	v5 =	vld.idx.msk [tilespmem:v5+s12+$0x0], $0xffff  }
0x46: {  	v27 =	vld.idx.msk [tilespmem:v9+s12+$0x0], $0xffff  }
0x47: {  	v9 =	vld.idx.msk [tilespmem:v24+s12+$0x0], $0xffff;
	v24 =	vor.u32 $0x180, v14  }
0x48: {  	v14 =	vld.idx.msk [tilespmem:v20+s12+$0x0], $0xffff;
	v20 =	vor.u32 $0x280, v16  }
0x49: {  	v16 =	vld.idx.msk [tilespmem:v21+s12+$0x0], $0xffff  }
0x4a: {  	v21 =	vld.idx.msk [tilespmem:v33+s12+$0x0], $0xffff  }
0x4b: {  	s22 =	sand.u32 $0x3E00, s28;
	v25 =	vld.idx.msk [tilespmem:v25+s12+$0x0], $0xffff  }
0x4c: {  	s3 =	sor.u32 s6, s22;
	v24 =	vld.idx.msk [tilespmem:v24+s12+$0x0], $0xffff  }
0x4d: {  	s2 =	sor.u32 s22, s2;
	v20 =	vld.idx.msk [tilespmem:v20+s12+$0x0], $0xffff;
	[tilespmem:s3+$0x11000] =	vst v31  }
0x4e: {  	s0 =	sor.u32 s22, s29;
	[tilespmem:s2+$0x11000] =	vst v28  }
0x4f: {  	p0 =	por $0x0, $0x0;
	s31 =	sor.u32 s22, s30;
	s9 =	simm.s32 $0x1;
	[tilespmem:s0+$0x11000] =	vst v29  }
0x50: {  	s29 =	simm.s32 $0x100;
	s30 =	simm.s32 $0x0;
	s9 =	simm.s32 @!p0 $0x0;
	[tilespmem:s31+$0x11000] =	vst v30  }
.LBB2_3:
0x51: {  	s9 =	sshll.u32 s9, $0x6  }
0x52: {  	[tilespmem:s3+$0x11080] =	vst v27;
	p0 =	por !p0, !p0;
	s28 =	sadd.s32 $0x40, s28;
	s7 =	smov.u32 s29  }
0x53: {  	p1 =	sne.s32 s29, $0x3F00;
	s29 =	sadd.s32 $0x100, s29;
	[tilespmem:s2+$0x11080] =	vst v26;
	s9 =	sadd.s32 s9, s30  }
0x54: {  	[tilespmem:s0+$0x11080] =	vst v10;
	s11 =	sor.u32 $0x100, s9;
	s22 =	sadd.s32 $0x10, s9;
	s1 =	sadd.s32 $0x30, s9  }
0x55: {  	s30 =	smov.u32 s7;
	s4 =	sadd.s32 $0x20, s9;
	[tilespmem:s31+$0x11080] =	vst v12;
	s5 =	sor.u32 $0x100, s22  }
0x56: {  	s7 =	sor.u32 $0x100, s4;
	[tilespmem:s11+$0x11000] =	vst v23  }
0x57: {  	s6 =	sor.u32 $0x100, s1;
	[tilespmem:s5+$0x11000] =	vst v19  }
0x58: {  	s9 =	sor.u32 $0x180, s9;
	[tilespmem:s7+$0x11000] =	vst v2  }
0x59: {  	s22 =	sor.u32 $0x180, s22;
	[tilespmem:s6+$0x11000] =	vst v8  }
0x5a: {  	s4 =	sor.u32 $0x180, s4;
	[tilespmem:s9+$0x11000] =	vst v15  }
0x5b: {  	s1 =	sor.u32 $0x180, s1;
	[tilespmem:s22+$0x11000] =	vst v7  }
0x5c: {  	[tilespmem:s4+$0x11000] =	vst v11  }
0x5d: {  	[tilespmem:s1+$0x11000] =	vst v24  }
0x5e: {  	[tilespmem:s3+$0x15000] =	vst v22  }
0x5f: {  	[tilespmem:s2+$0x15000] =	vst v25  }
0x60: {  	[tilespmem:s0+$0x15000] =	vst v13  }
0x61: {  	[tilespmem:s31+$0x15000] =	vst v21  }
0x62: {  	[tilespmem:s3+$0x15080] =	vst v18  }
0x63: {  	[tilespmem:s2+$0x15080] =	vst v4  }
0x64: {  	[tilespmem:s0+$0x15080] =	vst v20  }
0x65: {  	[tilespmem:s31+$0x15080] =	vst v16  }
0x66: {  	[tilespmem:s11+$0x15000] =	vst v14  }
0x67: {  	[tilespmem:s5+$0x15000] =	vst v0  }
0x68: {  	[tilespmem:s7+$0x15000] =	vst v6  }
0x69: {  	[tilespmem:s6+$0x15000] =	vst v3  }
0x6a: {  	[tilespmem:s9+$0x15000] =	vst v17  }
0x6b: {  	s3 =	sand.u32 $0x40, s28;
	s5 =	sand.u32 $0xF80, s28;
	[tilespmem:s22+$0x15000] =	vst v1  }
0x6c: {  	s2 =	sor.u32 $0x10, s3;
	s0 =	sor.u32 $0x20, s3;
	s31 =	sor.u32 $0x30, s3;
	[tilespmem:s4+$0x15000] =	vst v9  }
0x6d: {  	s6 =	sor.u32 s0, s5;
	s4 =	sor.u32 s2, s5;
	s5 =	sor.u32 s31, s5;
	[tilespmem:s1+$0x15000] =	vst v5  }
0x6e: {  	v0 =	vld [tilespmem:s4+$0x0]  }
0x6f: {  	v1 =	vld [tilespmem:s6+$0x0]  }
0x70: {  	v2 =	vld [tilespmem:s5+$0x0];
	_ =	sdelay $0x2  }
0x71: {  	v3 =	vand.u32 $0x7F, v0;
	v0 =	vshll.u32 v0, $0x3  }
0x72: {  	v0 =	vand.u32 $0xFFFFFC00, v0;
	v4 =	vand.u32 $0x7F, v1;
	v1 =	vshll.u32 v1, $0x3  }
0x73: {  	v0 =	vor.u32 v3, v0;
	v1 =	vand.u32 $0xFFFFFC00, v1;
	v3 =	vshll.u32 v2, $0x3  }
0x74: {  	v2 =	vand.u32 $0x7F, v2;
	v1 =	vor.u32 v4, v1;
	v3 =	vand.u32 $0xFFFFFC00, v3  }
0x75: {  	v3 =	vor.u32 v2, v3;
	v4 =	vor.u32 $0x80, v1;
	v2 =	vor.u32 $0x100, v1  }
0x76: {  	s1 =	sshra.s32 s30, $0x2;
	v5 =	vor.u32 $0x80, v3;
	v6 =	vor.u32 $0x100, v3;
	v9 =	vor.u32 $0x300, v3  }
0x77: {  	v17 =	vor.u32 $0x200, v3;
	v16 =	vor.u32 $0x280, v3;
	v14 =	vor.u32 $0x380, v3;
	v7 =	vld [tilespmem:s1+$0x0]  }
0x78: {  	v11 =	vor.u32 $0x180, v1;
	v13 =	vor.u32 $0x200, v1;
	v20 =	vor.u32 $0x180, v3;
	v28 =	vld.idx.msk [tilespmem:v0+s12+$0x0], $0xffff  }
0x79: {  	v25 =	vor.u32 $0x280, v1;
	v18 =	vor.u32 $0x300, v1;
	v21 =	vor.u32 $0x380, v1;
	v29 =	vld.idx.msk [tilespmem:v1+s12+$0x0], $0xffff  }
0x7a: {  	v22 =	vor.u32 $0x80, v0;
	v19 =	vor.u32 $0x100, v0;
	v1 =	vor.u32 $0x180, v0;
	v2 =	vld.idx.msk [tilespmem:v2+s12+$0x0], $0xffff  }
0x7b: {  	v30 =	vor.u32 $0x200, v0;
	v15 =	vor.u32 $0x300, v0;
	v10 =	vld.idx.msk [tilespmem:v4+s12+$0x0], $0xffff;
	v4 =	vor.u32 $0x280, v0  }
0x7c: {  	v8 =	vshll.u32 v7, $0x3;
	v12 =	vld.idx.msk [tilespmem:v5+s12+$0x0], $0xffff;
	v5 =	vor.u32 $0x380, v0  }
0x7d: {  	v0 =	vand.u32 $0x7F, v7;
	v7 =	vand.u32 $0xFFFFFC00, v8;
	v31 =	vld.idx.msk [tilespmem:v3+s12+$0x0], $0xffff  }
0x7e: {  	v3 =	vor.u32 v0, v7;
	v8 =	vld.idx.msk [tilespmem:v6+s12+$0x0], $0xffff  }
0x7f: {  	v24 =	vor.u32 $0x80, v3;
	v23 =	vor.u32 $0x100, v3;
	v6 =	vor.u32 $0x180, v3;
	v7 =	vld.idx.msk [tilespmem:v1+s12+$0x0], $0xffff  }
0x80: {  	v32 =	vor.u32 $0x200, v3;
	v33 =	vor.u32 $0x280, v3;
	v34 =	vor.u32 $0x300, v3;
	v0 =	vld.idx.msk [tilespmem:v15+s12+$0x0], $0xffff  }
0x81: {  	v35 =	vor.u32 $0x380, v3;
	v4 =	vld.idx.msk [tilespmem:v4+s12+$0x0], $0xffff  }
0x82: {  	v11 =	vld.idx.msk [tilespmem:v11+s12+$0x0], $0xffff  }
0x83: {  	v36 =	vld.idx.msk [tilespmem:v3+s12+$0x0], $0xffff  }
0x84: {  	v1 =	vld.idx.msk [tilespmem:v5+s12+$0x0], $0xffff  }
0x85: {  	v3 =	vld.idx.msk [tilespmem:v9+s12+$0x0], $0xffff  }
0x86: {  	v15 =	vld.idx.msk [tilespmem:v6+s12+$0x0], $0xffff  }
0x87: {  	v19 =	vld.idx.msk [tilespmem:v19+s12+$0x0], $0xffff  }
0x88: {  	v6 =	vld.idx.msk [tilespmem:v18+s12+$0x0], $0xffff  }
0x89: {  	v23 =	vld.idx.msk [tilespmem:v23+s12+$0x0], $0xffff  }
0x8a: {  	v13 =	vld.idx.msk [tilespmem:v13+s12+$0x0], $0xffff  }
0x8b: {  	v5 =	vld.idx.msk [tilespmem:v14+s12+$0x0], $0xffff  }
0x8c: {  	v27 =	vld.idx.msk [tilespmem:v24+s12+$0x0], $0xffff  }
0x8d: {  	v26 =	vld.idx.msk [tilespmem:v22+s12+$0x0], $0xffff  }
0x8e: {  	v9 =	vld.idx.msk [tilespmem:v21+s12+$0x0], $0xffff  }
0x8f: {  	v14 =	vld.idx.msk [tilespmem:v34+s12+$0x0], $0xffff  }
0x90: {  	v16 =	vld.idx.msk [tilespmem:v16+s12+$0x0], $0xffff  }
0x91: {  	v18 =	vld.idx.msk [tilespmem:v33+s12+$0x0], $0xffff  }
0x92: {  	v22 =	vld.idx.msk [tilespmem:v32+s12+$0x0], $0xffff  }
0x93: {  	v21 =	vld.idx.msk [tilespmem:v17+s12+$0x0], $0xffff  }
0x94: {  	v24 =	vld.idx.msk [tilespmem:v20+s12+$0x0], $0xffff  }
0x95: {  	s1 =	sand.u32 $0x3E00, s30;
	v20 =	vld.idx.msk [tilespmem:v25+s12+$0x0], $0xffff  }
0x96: {  	s3 =	sor.u32 s3, s1;
	v17 =	vld.idx.msk [tilespmem:v35+s12+$0x0], $0xffff  }
.Ltmp0:
0x97: {  	s2 =	sor.u32 s1, s2;
	v25 =	vld.idx.msk [tilespmem:v30+s12+$0x0], $0xffff;
	(pc) =	sbr.rel @p1 .LBB2_3-.Ltmp0, $4  }
0x98: {  	s0 =	sor.u32 s1, s0;
	[tilespmem:s3+$0x11000] =	vst v36  }
0x99: {  	s31 =	sor.u32 s1, s31;
	[tilespmem:s2+$0x11000] =	vst v28  }
0x9a: {  	s9 =	simm.s32 $0x1;
	[tilespmem:s0+$0x11000] =	vst v29  }
0x9b: {  	s9 =	simm.s32 @!p0 $0x0;
	[tilespmem:s31+$0x11000] =	vst v31  }
0x9c: {  	[tilespmem:s3+$0x11080] =	vst v27  }
0x9d: {  	s1 =	sshll.u32 s9, $0x6;
	[tilespmem:s2+$0x11080] =	vst v26  }
0x9e: {  	s1 =	sadd.s32 s1, s30;
	[tilespmem:s0+$0x11080] =	vst v10  }
0x9f: {  	s4 =	sor.u32 $0x100, s1;
	s5 =	sadd.s32 $0x10, s1;
	[tilespmem:s31+$0x11080] =	vst v12  }
0xa0: {  	s7 =	sadd.s32 $0x20, s1;
	s6 =	sor.u32 $0x100, s5;
	[tilespmem:s4+$0x11000] =	vst v23  }
0xa1: {  	s30 =	sadd.s32 $0x30, s1;
	s11 =	sor.u32 $0x100, s7;
	[tilespmem:s6+$0x11000] =	vst v19  }
0xa2: {  	s22 =	sor.u32 $0x100, s30;
	[tilespmem:s11+$0x11000] =	vst v2  }
0xa3: {  	s1 =	sor.u32 $0x180, s1;
	[tilespmem:s22+$0x11000] =	vst v8  }
0xa4: {  	s5 =	sor.u32 $0x180, s5;
	[tilespmem:s1+$0x11000] =	vst v15  }
0xa5: {  	s7 =	sor.u32 $0x180, s7;
	[tilespmem:s5+$0x11000] =	vst v7  }
0xa6: {  	s9 =	sor.u32 $0x180, s30;
	[tilespmem:s7+$0x11000] =	vst v11  }
0xa7: {  	[tilespmem:s9+$0x11000] =	vst v24  }
0xa8: {  	[tilespmem:s3+$0x15000] =	vst v22  }
0xa9: {  	[tilespmem:s2+$0x15000] =	vst v25  }
0xaa: {  	[tilespmem:s0+$0x15000] =	vst v13  }
0xab: {  	[tilespmem:s31+$0x15000] =	vst v21  }
0xac: {  	[tilespmem:s3+$0x15080] =	vst v18  }
0xad: {  	[tilespmem:s2+$0x15080] =	vst v4  }
0xae: {  	[tilespmem:s0+$0x15080] =	vst v20  }
0xaf: {  	[tilespmem:s31+$0x15080] =	vst v16  }
0xb0: {  	[tilespmem:s4+$0x15000] =	vst v14  }
0xb1: {  	[tilespmem:s6+$0x15000] =	vst v0  }
0xb2: {  	[tilespmem:s11+$0x15000] =	vst v6  }
0xb3: {  	[tilespmem:s22+$0x15000] =	vst v3  }
0xb4: {  	[tilespmem:s1+$0x15000] =	vst v17  }
0xb5: {  	[tilespmem:s5+$0x15000] =	vst v1  }
0xb6: {  	[tilespmem:s7+$0x15000] =	vst v9  }
0xb7: {  	s3 =	sadd.s32 s10, s26;
	[tilespmem:s9+$0x15000] =	vst v5  }
0xb8: {  	[hbm4b:s3+s15] =	stream.strided.scatter [tilespmem:s17], [sflag:$0x3], $0x4000, s16, s15, $0x38;
	[tilespmem:$0x19000] =	vst v63  }
0xb9: {  	p0 =	seq.s32 s23, $0xF;
	s0 =	rddreg [dreg:$0x7];
	s4 =	sadd.s32 s26, s8  }
0xba: {  	[hbm4b:s4+s15] =	stream.strided.scatter [tilespmem:s18], [sflag:$0x4], $0x4000, s16, s15, $0x38;
	[tilespmem:$0x19000] =	vst v63  }
0xbb: {  	s2 =	simm.s32 @!p0 $0x1000;
	s0 =	sadd.s32 @!p0 s0, s25;
	s1 =	simm.s32 @!p0 $0x0  }
0xbc: {  	[tilespmem:s2], [sflag:$0x1] =	stream.linear.gather @!p0 [hbm4b:s0+s1], $0x8000, $0x38;
	[tilespmem:$0x19000] =	vst v63  }
0xbd: {  	_ =	swait.ge [sflag:s19], $0x8000  }
0xbe: {  	[sflag:s19] =	ssyncset.done $0x0  }
0xbf: {  	[sflag:s19] =	ssyncadd.s32 $0xFFFF8000  }
0xc0: {  	_ =	swait.ge [sflag:s20], $0x4000  }
0xc1: {  	[sflag:s20] =	ssyncset.done $0x0  }
0xc2: {  	s25 =	simm.s32 $0x0;
	[sflag:s20] =	ssyncadd.s32 $0xFFFFC000  }
0xc3: {  	s5 =	sand.u32 $0x40, s25;
	_ =	swait.ge [sflag:s21], $0x4000  }
0xc4: {  	s6 =	sand.u32 $0xF80, s25;
	s7 =	sor.u32 $0x10, s5;
	[sflag:s21] =	ssyncset.done $0x0  }
0xc5: {  	s9 =	sor.u32 $0x20, s5;
	s11 =	sor.u32 s7, s6;
	[sflag:s21] =	ssyncadd.s32 $0xFFFFC000  }
0xc6: {  	s22 =	sor.u32 s9, s6;
	v0 =	vld [tilespmem:s11+$0x0]  }
0xc7: {  	v1 =	vld [tilespmem:s22+$0x0]  }
0xc8: {  	s28 =	sor.u32 $0x30, s5  }
0xc9: {  	s1 =	sor.u32 s28, s6  }
0xca: {  	v2 =	vld [tilespmem:s1+$0x0]  }
0xcb: {  	v3 =	vshll.u32 v0, $0x3  }
0xcc: {  	v0 =	vand.u32 $0x7F, v0;
	v4 =	vshll.u32 v1, $0x3;
	v3 =	vand.u32 $0xFFFFFC00, v3  }
0xcd: {  	v1 =	vand.u32 $0x7F, v1;
	v17 =	vor.u32 v0, v3;
	v0 =	vand.u32 $0xFFFFFC00, v4  }
0xce: {  	v16 =	vor.u32 v1, v0  }
0xcf: {  	v3 =	vshll.u32 v2, $0x3;
	v22 =	vor.u32 $0x80, v17  }
0xd0: {  	s30 =	simm.s32 $0x0;
	v0 =	vand.u32 $0x7F, v2;
	v1 =	vand.u32 $0xFFFFFC00, v3;
	v2 =	vor.u32 $0x100, v16  }
0xd1: {  	v3 =	vld [tilespmem:s30+$0x0];
	v14 =	vor.u32 v0, v1;
	v0 =	vor.u32 $0x80, v16  }
0xd2: {  	v28 =	vld.idx.msk [tilespmem:v17+s13+$0x0], $0xffff  }
0xd3: {  	v1 =	vor.u32 $0x80, v14;
	v29 =	vld.idx.msk [tilespmem:v16+s13+$0x0], $0xffff  }
0xd4: {  	v4 =	vor.u32 $0x100, v14;
	v26 =	vld.idx.msk [tilespmem:v22+s13+$0x0], $0xffff  }
0xd5: {  	v5 =	vor.u32 $0x180, v17;
	v2 =	vld.idx.msk [tilespmem:v2+s13+$0x0], $0xffff  }
0xd6: {  	v6 =	vor.u32 $0x280, v17;
	v10 =	vld.idx.msk [tilespmem:v0+s13+$0x0], $0xffff  }
0xd7: {  	v7 =	vshll.u32 v3, $0x3;
	v0 =	vor.u32 $0x300, v17;
	v30 =	vld.idx.msk [tilespmem:v14+s13+$0x0], $0xffff  }
0xd8: {  	v3 =	vand.u32 $0x7F, v3;
	v7 =	vand.u32 $0xFFFFFC00, v7;
	v12 =	vld.idx.msk [tilespmem:v1+s13+$0x0], $0xffff;
	v1 =	vor.u32 $0x180, v16  }
0xd9: {  	v18 =	vor.u32 v3, v7;
	v8 =	vld.idx.msk [tilespmem:v4+s13+$0x0], $0xffff  }
0xda: {  	v3 =	vor.u32 $0x380, v17;
	v7 =	vld.idx.msk [tilespmem:v5+s13+$0x0], $0xffff  }
0xdb: {  	v5 =	vor.u32 $0x300, v14;
	v4 =	vld.idx.msk [tilespmem:v6+s13+$0x0], $0xffff  }
0xdc: {  	v6 =	vor.u32 $0x100, v17;
	v0 =	vld.idx.msk [tilespmem:v0+s13+$0x0], $0xffff  }
0xdd: {  	v13 =	vor.u32 $0x300, v16;
	v11 =	vld.idx.msk [tilespmem:v1+s13+$0x0], $0xffff  }
0xde: {  	v21 =	vor.u32 $0x200, v16;
	v31 =	vld.idx.msk [tilespmem:v18+s13+$0x0], $0xffff  }
0xdf: {  	v9 =	vor.u32 $0x180, v18;
	v1 =	vld.idx.msk [tilespmem:v3+s13+$0x0], $0xffff  }
0xe0: {  	v20 =	vor.u32 $0x100, v18;
	v3 =	vld.idx.msk [tilespmem:v5+s13+$0x0], $0xffff  }
0xe1: {  	v25 =	vor.u32 $0x280, v18;
	v19 =	vld.idx.msk [tilespmem:v6+s13+$0x0], $0xffff  }
0xe2: {  	v32 =	vor.u32 $0x200, v18;
	v6 =	vld.idx.msk [tilespmem:v13+s13+$0x0], $0xffff  }
0xe3: {  	v34 =	vor.u32 $0x380, v18;
	v13 =	vld.idx.msk [tilespmem:v21+s13+$0x0], $0xffff  }
0xe4: {  	v5 =	vor.u32 $0x380, v14;
	v15 =	vld.idx.msk [tilespmem:v9+s13+$0x0], $0xffff  }
0xe5: {  	v9 =	vor.u32 $0x80, v18;
	v23 =	vld.idx.msk [tilespmem:v20+s13+$0x0], $0xffff  }
0xe6: {  	v24 =	vor.u32 $0x380, v16;
	v20 =	vor.u32 $0x300, v18;
	v18 =	vld.idx.msk [tilespmem:v25+s13+$0x0], $0xffff  }
0xe7: {  	v22 =	vld.idx.msk [tilespmem:v32+s13+$0x0], $0xffff  }
0xe8: {  	v21 =	vor.u32 $0x280, v14;
	v25 =	vor.u32 $0x200, v17;
	v17 =	vld.idx.msk [tilespmem:v34+s13+$0x0], $0xffff  }
0xe9: {  	v33 =	vor.u32 $0x200, v14;
	v5 =	vld.idx.msk [tilespmem:v5+s13+$0x0], $0xffff  }
0xea: {  	v27 =	vld.idx.msk [tilespmem:v9+s13+$0x0], $0xffff  }
0xeb: {  	v9 =	vld.idx.msk [tilespmem:v24+s13+$0x0], $0xffff;
	v24 =	vor.u32 $0x180, v14  }
0xec: {  	v14 =	vld.idx.msk [tilespmem:v20+s13+$0x0], $0xffff;
	v20 =	vor.u32 $0x280, v16  }
0xed: {  	v16 =	vld.idx.msk [tilespmem:v21+s13+$0x0], $0xffff  }
0xee: {  	v21 =	vld.idx.msk [tilespmem:v33+s13+$0x0], $0xffff  }
0xef: {  	s31 =	sand.u32 $0x3E00, s25;
	v25 =	vld.idx.msk [tilespmem:v25+s13+$0x0], $0xffff  }
0xf0: {  	s3 =	sor.u32 s5, s31;
	v24 =	vld.idx.msk [tilespmem:v24+s13+$0x0], $0xffff  }
0xf1: {  	s2 =	sor.u32 s31, s7;
	v20 =	vld.idx.msk [tilespmem:v20+s13+$0x0], $0xffff;
	[tilespmem:s3+$0x11000] =	vst v31  }
0xf2: {  	s0 =	sor.u32 s31, s9;
	[tilespmem:s2+$0x11000] =	vst v28  }
0xf3: {  	s29 =	sor.u32 s31, s28;
	p0 =	por $0x0, $0x0;
	s9 =	simm.s32 $0x1;
	[tilespmem:s0+$0x11000] =	vst v29  }
0xf4: {  	s26 =	simm.s32 $0x100;
	s28 =	simm.s32 $0x0;
	s9 =	simm.s32 @!p0 $0x0;
	[tilespmem:s29+$0x11000] =	vst v30  }
.LBB2_5:
0xf5: {  	s1 =	sshll.u32 s9, $0x6  }
0xf6: {  	[tilespmem:s3+$0x11080] =	vst v27;
	p0 =	por !p0, !p0;
	s25 =	sadd.s32 $0x40, s25;
	s4 =	smov.u32 s26  }
0xf7: {  	p1 =	sne.s32 s26, $0x3F00;
	s26 =	sadd.s32 $0x100, s26;
	[tilespmem:s2+$0x11080] =	vst v26;
	s1 =	sadd.s32 s1, s28  }
0xf8: {  	[tilespmem:s0+$0x11080] =	vst v10;
	s5 =	sor.u32 $0x100, s1;
	s6 =	sadd.s32 $0x10, s1;
	s7 =	sadd.s32 $0x30, s1  }
0xf9: {  	s28 =	smov.u32 s4;
	s11 =	sadd.s32 $0x20, s1;
	[tilespmem:s29+$0x11080] =	vst v12;
	s9 =	sor.u32 $0x100, s6  }
0xfa: {  	s4 =	sor.u32 $0x100, s11;
	[tilespmem:s5+$0x11000] =	vst v23  }
0xfb: {  	s22 =	sor.u32 $0x100, s7;
	[tilespmem:s9+$0x11000] =	vst v19  }
0xfc: {  	s1 =	sor.u32 $0x180, s1;
	[tilespmem:s4+$0x11000] =	vst v2  }
0xfd: {  	s6 =	sor.u32 $0x180, s6;
	[tilespmem:s22+$0x11000] =	vst v8  }
0xfe: {  	s11 =	sor.u32 $0x180, s11;
	[tilespmem:s1+$0x11000] =	vst v15  }
0xff: {  	s7 =	sor.u32 $0x180, s7;
	[tilespmem:s6+$0x11000] =	vst v7  }
0x100: {  	[tilespmem:s11+$0x11000] =	vst v11  }
0x101: {  	[tilespmem:s7+$0x11000] =	vst v24  }
0x102: {  	[tilespmem:s3+$0x15000] =	vst v22  }
0x103: {  	[tilespmem:s2+$0x15000] =	vst v25  }
0x104: {  	[tilespmem:s0+$0x15000] =	vst v13  }
0x105: {  	[tilespmem:s29+$0x15000] =	vst v21  }
0x106: {  	[tilespmem:s3+$0x15080] =	vst v18  }
0x107: {  	[tilespmem:s2+$0x15080] =	vst v4  }
0x108: {  	[tilespmem:s0+$0x15080] =	vst v20  }
0x109: {  	[tilespmem:s29+$0x15080] =	vst v16  }
0x10a: {  	[tilespmem:s5+$0x15000] =	vst v14  }
0x10b: {  	[tilespmem:s9+$0x15000] =	vst v0  }
0x10c: {  	[tilespmem:s4+$0x15000] =	vst v6  }
0x10d: {  	[tilespmem:s22+$0x15000] =	vst v3  }
0x10e: {  	[tilespmem:s1+$0x15000] =	vst v17  }
0x10f: {  	s3 =	sand.u32 $0x40, s25;
	s1 =	sand.u32 $0xF80, s25;
	[tilespmem:s6+$0x15000] =	vst v1  }
0x110: {  	s2 =	sor.u32 $0x10, s3;
	s0 =	sor.u32 $0x20, s3;
	s29 =	sor.u32 $0x30, s3;
	[tilespmem:s11+$0x15000] =	vst v9  }
0x111: {  	s4 =	sor.u32 s2, s1;
	s5 =	sor.u32 s0, s1;
	s1 =	sor.u32 s29, s1;
	[tilespmem:s7+$0x15000] =	vst v5  }
0x112: {  	v0 =	vld [tilespmem:s4+$0x0]  }
0x113: {  	v1 =	vld [tilespmem:s5+$0x0]  }
0x114: {  	v2 =	vld [tilespmem:s1+$0x0];
	_ =	sdelay $0x2  }
0x115: {  	v3 =	vand.u32 $0x7F, v0;
	v0 =	vshll.u32 v0, $0x3  }
0x116: {  	v0 =	vand.u32 $0xFFFFFC00, v0;
	v4 =	vand.u32 $0x7F, v1;
	v1 =	vshll.u32 v1, $0x3  }
0x117: {  	v0 =	vor.u32 v3, v0;
	v1 =	vand.u32 $0xFFFFFC00, v1;
	v3 =	vshll.u32 v2, $0x3  }
0x118: {  	v2 =	vand.u32 $0x7F, v2;
	v1 =	vor.u32 v4, v1;
	v3 =	vand.u32 $0xFFFFFC00, v3  }
0x119: {  	v3 =	vor.u32 v2, v3;
	v4 =	vor.u32 $0x80, v1;
	v2 =	vor.u32 $0x100, v1  }
0x11a: {  	s1 =	sshra.s32 s28, $0x2;
	v5 =	vor.u32 $0x80, v3;
	v6 =	vor.u32 $0x100, v3;
	v9 =	vor.u32 $0x300, v3  }
0x11b: {  	v17 =	vor.u32 $0x200, v3;
	v16 =	vor.u32 $0x280, v3;
	v14 =	vor.u32 $0x380, v3;
	v7 =	vld [tilespmem:s1+$0x0]  }
0x11c: {  	v11 =	vor.u32 $0x180, v1;
	v13 =	vor.u32 $0x200, v1;
	v20 =	vor.u32 $0x180, v3;
	v28 =	vld.idx.msk [tilespmem:v0+s13+$0x0], $0xffff  }
0x11d: {  	v25 =	vor.u32 $0x280, v1;
	v18 =	vor.u32 $0x300, v1;
	v21 =	vor.u32 $0x380, v1;
	v29 =	vld.idx.msk [tilespmem:v1+s13+$0x0], $0xffff  }
0x11e: {  	v22 =	vor.u32 $0x80, v0;
	v19 =	vor.u32 $0x100, v0;
	v1 =	vor.u32 $0x180, v0;
	v2 =	vld.idx.msk [tilespmem:v2+s13+$0x0], $0xffff  }
0x11f: {  	v30 =	vor.u32 $0x200, v0;
	v15 =	vor.u32 $0x300, v0;
	v10 =	vld.idx.msk [tilespmem:v4+s13+$0x0], $0xffff;
	v4 =	vor.u32 $0x280, v0  }
0x120: {  	v8 =	vshll.u32 v7, $0x3;
	v12 =	vld.idx.msk [tilespmem:v5+s13+$0x0], $0xffff;
	v5 =	vor.u32 $0x380, v0  }
0x121: {  	v0 =	vand.u32 $0x7F, v7;
	v7 =	vand.u32 $0xFFFFFC00, v8;
	v31 =	vld.idx.msk [tilespmem:v3+s13+$0x0], $0xffff  }
0x122: {  	v3 =	vor.u32 v0, v7;
	v8 =	vld.idx.msk [tilespmem:v6+s13+$0x0], $0xffff  }
0x123: {  	v24 =	vor.u32 $0x80, v3;
	v23 =	vor.u32 $0x100, v3;
	v6 =	vor.u32 $0x180, v3;
	v7 =	vld.idx.msk [tilespmem:v1+s13+$0x0], $0xffff  }
0x124: {  	v32 =	vor.u32 $0x200, v3;
	v33 =	vor.u32 $0x280, v3;
	v34 =	vor.u32 $0x300, v3;
	v0 =	vld.idx.msk [tilespmem:v15+s13+$0x0], $0xffff  }
0x125: {  	v35 =	vor.u32 $0x380, v3;
	v4 =	vld.idx.msk [tilespmem:v4+s13+$0x0], $0xffff  }
0x126: {  	v11 =	vld.idx.msk [tilespmem:v11+s13+$0x0], $0xffff  }
0x127: {  	v36 =	vld.idx.msk [tilespmem:v3+s13+$0x0], $0xffff  }
0x128: {  	v1 =	vld.idx.msk [tilespmem:v5+s13+$0x0], $0xffff  }
0x129: {  	v3 =	vld.idx.msk [tilespmem:v9+s13+$0x0], $0xffff  }
0x12a: {  	v15 =	vld.idx.msk [tilespmem:v6+s13+$0x0], $0xffff  }
0x12b: {  	v19 =	vld.idx.msk [tilespmem:v19+s13+$0x0], $0xffff  }
0x12c: {  	v6 =	vld.idx.msk [tilespmem:v18+s13+$0x0], $0xffff  }
0x12d: {  	v23 =	vld.idx.msk [tilespmem:v23+s13+$0x0], $0xffff  }
0x12e: {  	v13 =	vld.idx.msk [tilespmem:v13+s13+$0x0], $0xffff  }
0x12f: {  	v5 =	vld.idx.msk [tilespmem:v14+s13+$0x0], $0xffff  }
0x130: {  	v27 =	vld.idx.msk [tilespmem:v24+s13+$0x0], $0xffff  }
0x131: {  	v26 =	vld.idx.msk [tilespmem:v22+s13+$0x0], $0xffff  }
0x132: {  	v9 =	vld.idx.msk [tilespmem:v21+s13+$0x0], $0xffff  }
0x133: {  	v14 =	vld.idx.msk [tilespmem:v34+s13+$0x0], $0xffff  }
0x134: {  	v16 =	vld.idx.msk [tilespmem:v16+s13+$0x0], $0xffff  }
0x135: {  	v18 =	vld.idx.msk [tilespmem:v33+s13+$0x0], $0xffff  }
0x136: {  	v22 =	vld.idx.msk [tilespmem:v32+s13+$0x0], $0xffff  }
0x137: {  	v21 =	vld.idx.msk [tilespmem:v17+s13+$0x0], $0xffff  }
0x138: {  	v24 =	vld.idx.msk [tilespmem:v20+s13+$0x0], $0xffff  }
0x139: {  	s1 =	sand.u32 $0x3E00, s28;
	v20 =	vld.idx.msk [tilespmem:v25+s13+$0x0], $0xffff  }
0x13a: {  	s3 =	sor.u32 s3, s1;
	v17 =	vld.idx.msk [tilespmem:v35+s13+$0x0], $0xffff  }
.Ltmp1:
0x13b: {  	s2 =	sor.u32 s1, s2;
	v25 =	vld.idx.msk [tilespmem:v30+s13+$0x0], $0xffff;
	(pc) =	sbr.rel @p1 .LBB2_5-.Ltmp1, $4  }
0x13c: {  	s0 =	sor.u32 s1, s0;
	[tilespmem:s3+$0x11000] =	vst v36  }
0x13d: {  	s29 =	sor.u32 s1, s29;
	[tilespmem:s2+$0x11000] =	vst v28  }
0x13e: {  	s9 =	simm.s32 $0x1;
	[tilespmem:s0+$0x11000] =	vst v29  }
0x13f: {  	s9 =	simm.s32 @!p0 $0x0;
	[tilespmem:s29+$0x11000] =	vst v31  }
0x140: {  	[tilespmem:s3+$0x11080] =	vst v27  }
0x141: {  	s1 =	sshll.u32 s9, $0x6;
	[tilespmem:s2+$0x11080] =	vst v26  }
0x142: {  	s1 =	sadd.s32 s1, s28;
	[tilespmem:s0+$0x11080] =	vst v10  }
0x143: {  	s4 =	sor.u32 $0x100, s1;
	s5 =	sadd.s32 $0x10, s1;
	[tilespmem:s29+$0x11080] =	vst v12  }
0x144: {  	s7 =	sadd.s32 $0x20, s1;
	s6 =	sor.u32 $0x100, s5;
	[tilespmem:s4+$0x11000] =	vst v23  }
0x145: {  	s28 =	sadd.s32 $0x30, s1;
	s11 =	sor.u32 $0x100, s7;
	[tilespmem:s6+$0x11000] =	vst v19  }
0x146: {  	s22 =	sor.u32 $0x100, s28;
	[tilespmem:s11+$0x11000] =	vst v2  }
0x147: {  	s1 =	sor.u32 $0x180, s1;
	[tilespmem:s22+$0x11000] =	vst v8  }
0x148: {  	s5 =	sor.u32 $0x180, s5;
	[tilespmem:s1+$0x11000] =	vst v15  }
0x149: {  	s7 =	sor.u32 $0x180, s7;
	[tilespmem:s5+$0x11000] =	vst v7  }
0x14a: {  	s9 =	sor.u32 $0x180, s28;
	[tilespmem:s7+$0x11000] =	vst v11  }
0x14b: {  	[tilespmem:s9+$0x11000] =	vst v24  }
0x14c: {  	[tilespmem:s3+$0x15000] =	vst v22  }
0x14d: {  	[tilespmem:s2+$0x15000] =	vst v25  }
0x14e: {  	[tilespmem:s0+$0x15000] =	vst v13  }
0x14f: {  	[tilespmem:s29+$0x15000] =	vst v21  }
0x150: {  	[tilespmem:s3+$0x15080] =	vst v18  }
0x151: {  	[tilespmem:s2+$0x15080] =	vst v4  }
0x152: {  	[tilespmem:s0+$0x15080] =	vst v20  }
0x153: {  	[tilespmem:s29+$0x15080] =	vst v16  }
0x154: {  	[tilespmem:s4+$0x15000] =	vst v14  }
0x155: {  	[tilespmem:s6+$0x15000] =	vst v0  }
0x156: {  	[tilespmem:s11+$0x15000] =	vst v6  }
0x157: {  	[tilespmem:s22+$0x15000] =	vst v3  }
0x158: {  	s23 =	sadd.s32 $0x1, s23;
	[tilespmem:s1+$0x15000] =	vst v17  }
0x159: {  	p0 =	sne.s32 s23, $0x10;
	[tilespmem:s5+$0x15000] =	vst v1  }
.Ltmp2:
0x15a: {  	[tilespmem:s7+$0x15000] =	vst v9;
	(pc) =	sbr.rel @p0 .LBB2_2-.Ltmp2, $4  }
0x15b: {  	s30 =	sadd.s32 s10, s24;
	[tilespmem:s9+$0x15000] =	vst v5  }
0x15c: {  	[hbm4b:s30+s15] =	stream.strided.scatter [tilespmem:s17], [sflag:$0x3], $0x4000, s16, s15, $0x38;
	[tilespmem:$0x19000] =	vst v63  }
0x15d: {  	s31 =	sadd.s32 s24, s8  }
0x15e: {  	[hbm4b:s31+s15] =	stream.strided.scatter [tilespmem:s18], [sflag:$0x4], $0x4000, s16, s15, $0x38;
	[tilespmem:$0x19000] =	vst v63  }
0x15f: {  	_ =	swait.ge [sflag:s20], $0x4000  }
0x160: {  	[sflag:s20] =	ssyncset.done $0x0  }
0x161: {  	[sflag:s20] =	ssyncadd.s32 $0xFFFFC000  }
0x162: {  	_ =	swait.ge [sflag:s21], $0x4000  }
0x163: {  	s1 =	rddreg [dreg:$0x8]  }
0x164: {  	s0 =	rddreg [dreg:$0x6];
	s1 =	sadd.s32 $0x1, s1  }
0x165: {  	p0 =	sne.s32 s1, s0  }
.Ltmp3:
0x166: {  	_ = 	snop;
	(pc) =	sbr.rel @p0 .LBB2_1-.Ltmp3, $3  }
0x167: {  	_ =	sdelay $0x1  }
0x168: {  	[sflag:s21] =	ssyncset.done $0x0  }
0x169: {  	[sflag:s21] =	ssyncadd.s32 $0xFFFFC000  }
0x16a: {  	_ =	sfence.sel $0x180000  }
0x16b: {  	[bflag:$0x0] =	sbarrier.arrive $0xFFFF  }
0x16c: {  	_ =	strace $0x90000047  }
0x16d: {  	s0 =	stileid.u32;
	[bflag:$0x2] =	sbarrier.arrive $0xFFFF  }
0x16e: {  	p0 =	sne.s32 s0, $0x0;
	s0 =	rddreg [dreg:$0x3]  }
0x16f: {  	s0 =	sadd.s32 @!p0 $0x100000, s0  }
0x170: {  	[sflag:s0] =	ssyncadd.tile.s32 @!p0 $0x1;
	_ =	shalt  }
.Lfunc_end2:
_tile_overlayer_lowered:
.L_overlay_start_2:
0x171: {  	(tag) =	ssettag $0x2  }
0x172: {  	s0 =	rddreg [dreg:$0x0];
	s2 =	stileid.u32  }
0x173: {  	s1 =	rddreg [dreg:$0x1];
	p0 =	sne.s32 s2, $0x0  }
0x174: {  	s3 =	rddreg [dreg:$0x2];
	[bflag:$0x3] =	sbarrier.arrive $0xFFFF;
	s2 =	simm.s32 @!p0 $0x1C05  }
0x175: {  	[timem:s3], [sflag:s2] =	dma.local @!p0 [hbm:s0], s1  }
0x176: {  	s0 =	simm.s32 @!p0 $0x5  }
0x177: {  	_ =	swait.ge @!p0 [sflag:s0], s1  }
0x178: {  	s1 =	ssub.s32 @!p0 $0x0, s1;
	[sflag:s0] =	ssyncset.done @!p0 $0x0  }
0x179: {  	[sflag:s0] =	ssyncadd.s32 @!p0 s1  }
0x17a: {  	[bflag:$0x3] =	sbarrier.arrive $0xFFFF  }
0x17b: {  	_ =	shalt  }

</sc_bundles>
